<compile_context>
chip_gen: v7x
topology: tpu7x:2x2x1
jax: 0.10.2.dev20260603
libtpu: 0.0.44.dev20260713+nightly
codegen_flags: <defaults>
</compile_context>

<pallas_src>
import functools

import jax
import jax.numpy as jnp
from jax import lax
from jax.experimental import pallas as pl
from jax.experimental.pallas import tpu as pltpu
from jax.experimental.pallas import tpu_sc as plsc

N = 16384
B = 512
FEAT = 128
EMB = 64
MESHD = 64
OUTD = 128
E = 262144

NB = N // B
NC = 2
NS = 16
NW = NC * NS
EPW = E // NW
CH = 128
NCHUNK = EPW // CH
RPT = N // NS

_BIG = 3.0e38


def _emb_body(f_ref, wp_ref, emb_ref):
    emb_ref[...] = jnp.dot(f_ref[...], wp_ref[...],
                           preferred_element_type=jnp.float32)


def _mine_body(f_ref, emb_in_ref, pos_ref, neg_ref):
    f = f_ref[...]
    sqc = jnp.sum(f * f, axis=1, keepdims=True)
    rowi = lax.broadcasted_iota(jnp.int32, (B, B), 0)
    coli = lax.broadcasted_iota(jnp.int32, (B, B), 1)
    eyef = (rowi == coli).astype(jnp.float32)
    sqr = lax.dot_general(sqc, eyef, (((0,), (0,)), ((), ())),
                          precision=lax.Precision.HIGHEST)
    G = lax.dot_general(f, f, (((1,), (1,)), ((), ())),
                        preferred_element_type=jnp.float32)
    D2 = sqc + sqr - 2.0 * G
    Dd = jnp.sqrt(jnp.maximum(D2, 0.0))
    emb = emb_in_ref[...]

    def extract(Dm, largest):
        if largest:
            m = jnp.max(Dm, axis=1, keepdims=True)
            repl = -_BIG
            eq = Dm == m
            idx = jnp.max(jnp.where(eq, coli, -1), axis=1, keepdims=True)
        else:
            m = jnp.min(Dm, axis=1, keepdims=True)
            repl = _BIG
            eq = Dm == m
            idx = jnp.min(jnp.where(eq, coli, 2**30), axis=1, keepdims=True)
        oh = coli == idx
        return oh, jnp.where(oh, repl, Dm)

    emb_hi = emb.astype(jnp.bfloat16)
    r1 = emb - emb_hi.astype(jnp.float32)
    emb_mid = r1.astype(jnp.bfloat16)
    emb_lo = (r1 - emb_mid.astype(jnp.float32)).astype(jnp.bfloat16)

    def cand(oh):
        ohb = oh.astype(jnp.bfloat16)
        ph = jnp.dot(ohb, emb_hi, preferred_element_type=jnp.float32)
        pm = jnp.dot(ohb, emb_mid, preferred_element_type=jnp.float32)
        plo = jnp.dot(ohb, emb_lo, preferred_element_type=jnp.float32)
        P = ph + (pm + plo)
        d = jnp.sqrt(jnp.sum((emb - P + 1e-6) ** 2, axis=1, keepdims=True))
        return P, d

    Dm = Dd
    _, Dm = extract(Dm, largest=False)
    pos_c = []
    for _ in range(5):
        oh, Dm = extract(Dm, largest=False)
        pos_c.append(cand(oh))
    bP, bd = pos_c[0]
    for P, d in pos_c[1:]:
        upd = d > bd
        bd = jnp.where(upd, d, bd)
        bP = jnp.where(upd, P, bP)
    pos_ref[...] = bP

    Dm = Dd
    neg_c = []
    for _ in range(5):
        oh, Dm = extract(Dm, largest=True)
        neg_c.append(cand(oh))
    neg_c.reverse()
    bP, bd = neg_c[0]
    for P, d in neg_c[1:]:
        upd = d < bd
        bd = jnp.where(upd, d, bd)
        bP = jnp.where(upd, P, bP)
    neg_ref[...] = bP


def _sc_scatter_body(sp_hbm, src_hbm, dst_hbm, zrow_hbm, zdeg_hbm,
                     agg_out, deg_out,
                     idx_src, idx_dst, rows_a, rows_b, deg_l, agg_sh,
                     sem_a, sem_b):
    c = lax.axis_index("c")
    s = lax.axis_index("s")
    wid = s * NC + c
    pltpu.sync_copy(zrow_hbm, agg_sh.at[pl.ds(s * RPT, RPT)])
    pltpu.sync_copy(zdeg_hbm, deg_l)
    pltpu.sync_copy(src_hbm.at[wid], idx_src)
    pltpu.sync_copy(dst_hbm.at[wid], idx_dst)
    plsc.subcore_barrier()

    ones = jnp.ones((16,), jnp.float32)

    def deg_update(j):
        for k in range(CH // 16):
            v = idx_dst[j, pl.ds(k * 16, 16)]
            plsc.addupdate_scatter(deg_l, [v], ones)

    pltpu.async_copy(sp_hbm.at[idx_src.at[0]], rows_a, sem_a)

    def chunk_pair(i, carry):
        j0 = 2 * i
        j1 = j0 + 1
        pltpu.make_async_copy(sp_hbm.at[idx_src.at[j0]], rows_a, sem_a).wait()
        pltpu.async_copy(sp_hbm.at[idx_src.at[j1]], rows_b, sem_b)
        pltpu.sync_copy(rows_a, agg_sh.at[idx_dst.at[j0]], add=True)
        deg_update(j0)
        pltpu.make_async_copy(sp_hbm.at[idx_src.at[j1]], rows_b, sem_b).wait()

        @pl.when(j1 < NCHUNK - 1)
        def _():
            pltpu.async_copy(sp_hbm.at[idx_src.at[j0 + 2]], rows_a, sem_a)

        pltpu.sync_copy(rows_b, agg_sh.at[idx_dst.at[j1]], add=True)
        deg_update(j1)
        return carry

    lax.fori_loop(0, NCHUNK // 2, chunk_pair, 0)
    plsc.subcore_barrier()
    pltpu.sync_copy(agg_sh.at[pl.ds(s * RPT, RPT)],
                    agg_out.at[c, pl.ds(s * RPT, RPT)])
    pltpu.sync_copy(deg_l, deg_out.at[wid])


def _make_sc_scatter():
    return pl.kernel(
        _sc_scatter_body,
        out_type=[jax.ShapeDtypeStruct((NC, N, EMB), jnp.float32),
                  jax.ShapeDtypeStruct((NW, N), jnp.float32)],
        mesh=plsc.VectorSubcoreMesh(core_axis_name="c", subcore_axis_name="s",
                                    num_cores=NC, num_subcores=NS),
        compiler_params=pltpu.CompilerParams(needs_layout_passes=False,
                                             use_tc_tiling_on_sc=False),
        scratch_types=[pltpu.VMEM((NCHUNK, CH), jnp.int32),
                       pltpu.VMEM((NCHUNK, CH), jnp.int32),
                       pltpu.VMEM((CH, EMB), jnp.float32),
                       pltpu.VMEM((CH, EMB), jnp.float32),
                       pltpu.VMEM((N,), jnp.float32),
                       pltpu.VMEM_SHARED((N, EMB), jnp.float32),
                       pltpu.SemaphoreType.DMA,
                       pltpu.SemaphoreType.DMA],
    )


def _tail_body(ap_ref, degp_ref, wm_ref, wc_ref, mg_ref, lg_ref):
    agg = ap_ref[0] + ap_ref[1]
    ones32 = jnp.ones((NW, 1), jnp.float32)
    deg = lax.dot_general(degp_ref[...], ones32, (((0,), (0,)), ((), ())),
                          precision=lax.Precision.HIGHEST)
    x = agg / jnp.maximum(deg, 1.0)
    mg = jax.nn.relu(jnp.dot(x, wm_ref[...],
                             preferred_element_type=jnp.float32))
    mg_ref[...] = mg
    lg_ref[...] = jnp.dot(mg, wc_ref[...],
                          preferred_element_type=jnp.float32)


def kernel(patch_feats, edge_index, W_patch, W_mesh, W_cls):
    EB = 4096
    emb = pl.pallas_call(
        _emb_body,
        grid=(N // EB,),
        in_specs=[pl.BlockSpec((EB, FEAT), lambda b: (b, 0)),
                  pl.BlockSpec((FEAT, EMB), lambda b: (0, 0))],
        out_specs=pl.BlockSpec((EB, EMB), lambda b: (b, 0)),
        out_shape=jax.ShapeDtypeStruct((N, EMB), jnp.float32),
    )(patch_feats, W_patch)

    src = edge_index[0].reshape(NW, NCHUNK, CH)
    dst = edge_index[1].reshape(NW, NCHUNK, CH)
    zrow = jnp.zeros((RPT, EMB), jnp.float32)
    zdeg = jnp.zeros((N,), jnp.float32)
    agg_p, deg_p = _make_sc_scatter()(emb, src, dst, zrow, zdeg)

    pos, neg = pl.pallas_call(
        _mine_body,
        grid=(NB,),
        in_specs=[pl.BlockSpec((B, FEAT), lambda b: (b, 0)),
                  pl.BlockSpec((B, EMB), lambda b: (b, 0))],
        out_specs=[pl.BlockSpec((B, EMB), lambda b: (b, 0))] * 2,
        out_shape=[jax.ShapeDtypeStruct((N, EMB), jnp.float32)] * 2,
    )(patch_feats, emb)

    RB = 2048
    mg, logits = pl.pallas_call(
        _tail_body,
        grid=(N // RB,),
        in_specs=[pl.BlockSpec((NC, RB, EMB), lambda b: (0, b, 0)),
                  pl.BlockSpec((NW, RB), lambda b: (0, b)),
                  pl.BlockSpec((MESHD, MESHD), lambda b: (0, 0)),
                  pl.BlockSpec((MESHD, OUTD), lambda b: (0, 0))],
        out_specs=[pl.BlockSpec((RB, MESHD), lambda b: (b, 0)),
                   pl.BlockSpec((RB, OUTD), lambda b: (b, 0))],
        out_shape=[jax.ShapeDtypeStruct((N, MESHD), jnp.float32),
                   jax.ShapeDtypeStruct((N, OUTD), jnp.float32)],
    )(agg_p, deg_p, W_mesh, W_cls)

    return (logits, mg, emb, pos, neg)

# --- scband reference (transcript-rebuilt; emitter-appended) ---
"""Pipeline reference for scband-test-network-8538394984947 (READ-ONLY COPY).

The authoritative reference and input builder live on the scoring server;
editing this copy changes nothing except your own understanding.
"""

import jax, jax.numpy as jnp
import numpy as np

N = 16384
B = 512
FEAT = 128
EMB = 64
MESH = 64
OUT = 128
E = 262144


def setup_inputs(seed: int = 0) -> dict:
    key = jax.random.key(seed)
    k1, k2, k3, k4, k5 = jax.random.split(key, 5)
    patch_feats = jax.random.normal(k1, (N, FEAT), dtype=jnp.float32)
    edge_index = jax.random.randint(k2, (2, E), 0, N, dtype=jnp.int32)
    W_patch = jax.random.normal(k3, (FEAT, EMB), dtype=jnp.float32) * 0.05
    W_mesh = jax.random.normal(k4, (EMB, MESH), dtype=jnp.float32) * 0.05
    W_cls = jax.random.normal(k5, (MESH, OUT), dtype=jnp.float32) * 0.05
    return {"patch_feats": patch_feats, "edge_index": edge_index,
            "W_patch": W_patch, "W_mesh": W_mesh, "W_cls": W_cls}


def reference(patch_feats, edge_index, W_patch, W_mesh, W_cls):
    nb = N // B
    feats = patch_feats.reshape(nb, B, FEAT)

    def per_batch(f):
        # SPMatrixDistanceV1: pairwise L2 distance on aggregated feats
        sq = jnp.sum(f * f, axis=1)
        D2 = sq[:, None] + sq[None, :] - 2.0 * (f @ f.T)
        D = jnp.sqrt(jnp.maximum(D2, 0.0))
        sorted_idx = jnp.argsort(D, axis=1)
        neg_idx = sorted_idx[:, -5:]   # 5 farthest
        pos_idx = sorted_idx[:, 1:6]   # 5 nearest (excluding self)
        # patch embedder (linear stand-in)
        emb = f @ W_patch
        # hardest-negative / hardest-positive mining (pairwise_distance, eps=1e-6)
        dneg = jnp.linalg.norm(emb[:, None, :] - emb[neg_idx] + 1e-6, axis=-1)
        dpos = jnp.linalg.norm(emb[:, None, :] - emb[pos_idx] + 1e-6, axis=-1)
        hn = jnp.argmin(dneg, axis=1)
        hp = jnp.argmax(dpos, axis=1)
        ar = jnp.arange(B)
        pos_emb = emb[pos_idx][ar, hp]
        neg_emb = emb[neg_idx][ar, hn]
        return emb, pos_emb, neg_emb

    emb, pos, neg = jax.vmap(per_batch)(feats)
    SP_embeddings = emb.reshape(N, EMB)
    positive_embeddings = pos.reshape(N, EMB)
    negative_embeddings = neg.reshape(N, EMB)

    # mesh embedder: mean-aggregate SP embeddings over mesh graph, then linear
    src = edge_index[0]
    dst = edge_index[1]
    agg = jax.ops.segment_sum(SP_embeddings[src], dst, num_segments=N)
    deg = jax.ops.segment_sum(jnp.ones((E,), dtype=SP_embeddings.dtype), dst, num_segments=N)
    MG_embeddings = jax.nn.relu((agg / jnp.maximum(deg, 1.0)[:, None]) @ W_mesh)

    logits = MG_embeddings @ W_cls  # classifier, bias=False
    return (logits, MG_embeddings, SP_embeddings, positive_embeddings, negative_embeddings)

if __name__ == "__main__":
    import jax
    _d = setup_inputs()
    print(jax.jit(kernel)(*tuple(_d.values())))

</pallas_src>

<mosaic_0001>
#map = affine_map<(d0, d1) -> (0, 0)>
#map1 = affine_map<(d0, d1) -> (0, 0, 0)>
#map2 = affine_map<(d0, d1) -> (0)>
module attributes {stable_mosaic.version = 14 : i64} {
  func.func @_sc_scatter_body(%arg0: i32, %arg1: i32, %arg2: memref<16384x64xf32, #tpu.memory_space<hbm>>, %arg3: memref<32x64x128xi32, #tpu.memory_space<hbm>>, %arg4: memref<32x64x128xi32, #tpu.memory_space<hbm>>, %arg5: memref<1024x64xf32, #tpu.memory_space<hbm>>, %arg6: memref<16384xf32, #tpu.memory_space<hbm>>, %arg7: memref<2x16384x64xf32, #tpu.memory_space<hbm>>, %arg8: memref<32x16384xf32, #tpu.memory_space<hbm>>, %arg9: memref<64x128xi32, #tpu.memory_space<vmem>>, %arg10: memref<64x128xi32, #tpu.memory_space<vmem>>, %arg11: memref<128x64xf32, #tpu.memory_space<vmem>>, %arg12: memref<128x64xf32, #tpu.memory_space<vmem>>, %arg13: memref<16384xf32, #tpu.memory_space<vmem>>, %arg14: memref<16384x64xf32, #tpu.memory_space<vmem_shared>>, %arg15: memref<!tpu.dma_semaphore, #tpu.memory_space<semaphore_mem>>, %arg16: memref<!tpu.dma_semaphore, #tpu.memory_space<semaphore_mem>>) attributes {dimension_semantics = [#tpu.dimension_semantics<core_parallel>, #tpu.dimension_semantics<subcore_parallel>], iteration_bounds = array<i64: 2, 16>, scalar_prefetch = 0 : i64, scratch_operands = 8 : i64, tpu.core_type = #tpu.core_type<sc_vector_subcore>, window_params = [{transform_indices = #map}, {transform_indices = #map1}, {transform_indices = #map1}, {transform_indices = #map}, {transform_indices = #map2}, {transform_indices = #map1}, {transform_indices = #map}]} {
    %mul3A = arith.constant 2 : i32
    %mul3A_0 = arith.muli %arg1, %mul3A : i32
    %add3A = arith.addi %mul3A_0, %arg0 : i32
    %mul3A_1 = arith.constant 1024 : i32
    %mul3A_2 = arith.muli %arg1, %mul3A_1 : i32
    "tpu.region"() ({
      %run_scoped3A = tpu.sem_alloc : memref<!tpu.dma_semaphore, #tpu.memory_space<semaphore_mem>>
      %dma_start3A_20 = arith.constant 0 : i32
      %dma_start3A_21 = tpu.memref_slice %arg14[%mul3A_2, %dma_start3A_20] : memref<16384x64xf32, #tpu.memory_space<vmem_shared>> -> memref<1024x64xf32, #tpu.memory_space<vmem_shared>>
      tpu.enqueue_dma source(%arg5 : memref<1024x64xf32, #tpu.memory_space<hbm>>) target(%dma_start3A_21 : memref<1024x64xf32, #tpu.memory_space<vmem_shared>>) target_semaphore(%run_scoped3A : memref<!tpu.dma_semaphore, #tpu.memory_space<semaphore_mem>>)
      %dma_wait3A = arith.constant 0 : i32
      %dma_wait3A_22 = tpu.memref_slice %arg14[%mul3A_2, %dma_wait3A] : memref<16384x64xf32, #tpu.memory_space<vmem_shared>> -> memref<1024x64xf32, #tpu.memory_space<vmem_shared>>
      tpu.wait_dma2 semaphore(%run_scoped3A : memref<!tpu.dma_semaphore, #tpu.memory_space<semaphore_mem>>) src(%arg5 : memref<1024x64xf32, #tpu.memory_space<hbm>>) dst(%dma_wait3A_22 : memref<1024x64xf32, #tpu.memory_space<vmem_shared>>)
      tpu.yield
    }) : () -> ()
    "tpu.region"() ({
      %run_scoped3A = tpu.sem_alloc : memref<!tpu.dma_semaphore, #tpu.memory_space<semaphore_mem>>
      tpu.enqueue_dma source(%arg6 : memref<16384xf32, #tpu.memory_space<hbm>>) target(%arg13 : memref<16384xf32, #tpu.memory_space<vmem>>) target_semaphore(%run_scoped3A : memref<!tpu.dma_semaphore, #tpu.memory_space<semaphore_mem>>)
      tpu.wait_dma2 semaphore(%run_scoped3A : memref<!tpu.dma_semaphore, #tpu.memory_space<semaphore_mem>>) src(%arg6 : memref<16384xf32, #tpu.memory_space<hbm>>) dst(%arg13 : memref<16384xf32, #tpu.memory_space<vmem>>)
      tpu.yield
    }) : () -> ()
    "tpu.region"() ({
      %run_scoped3A = tpu.sem_alloc : memref<!tpu.dma_semaphore, #tpu.memory_space<semaphore_mem>>
      %dma_start3A_20 = arith.constant 0 : i32
      %dma_start3A_21 = arith.constant 0 : i32
      %dma_start3A_22 = tpu.memref_slice %arg3[%add3A, %dma_start3A_20, %dma_start3A_21] : memref<32x64x128xi32, #tpu.memory_space<hbm>> -> memref<1x64x128xi32, #tpu.memory_space<hbm>>
      %dma_start3A_23 = tpu.memref_squeeze %dma_start3A_22 : memref<1x64x128xi32, #tpu.memory_space<hbm>> -> memref<64x128xi32, #tpu.memory_space<hbm>>
      %dma_start3A_24 = arith.constant 0 : i32
      %dma_start3A_25 = arith.constant 0 : i32
      %dma_start3A_26 = tpu.memref_slice %arg3[%add3A, %dma_start3A_24, %dma_start3A_25] : memref<32x64x128xi32, #tpu.memory_space<hbm>> -> memref<1x64x128xi32, #tpu.memory_space<hbm>>
      %dma_start3A_27 = tpu.memref_squeeze %dma_start3A_26 : memref<1x64x128xi32, #tpu.memory_space<hbm>> -> memref<64x128xi32, #tpu.memory_space<hbm>>
      tpu.enqueue_dma source(%dma_start3A_27 : memref<64x128xi32, #tpu.memory_space<hbm>>) target(%arg9 : memref<64x128xi32, #tpu.memory_space<vmem>>) target_semaphore(%run_scoped3A : memref<!tpu.dma_semaphore, #tpu.memory_space<semaphore_mem>>)
      %dma_wait3A = arith.constant 0 : i32
      %dma_wait3A_28 = arith.constant 0 : i32
      %dma_wait3A_29 = tpu.memref_slice %arg3[%add3A, %dma_wait3A, %dma_wait3A_28] : memref<32x64x128xi32, #tpu.memory_space<hbm>> -> memref<1x64x128xi32, #tpu.memory_space<hbm>>
      %dma_wait3A_30 = tpu.memref_squeeze %dma_wait3A_29 : memref<1x64x128xi32, #tpu.memory_space<hbm>> -> memref<64x128xi32, #tpu.memory_space<hbm>>
      %dma_wait3A_31 = arith.constant 0 : i32
      %dma_wait3A_32 = arith.constant 0 : i32
      %dma_wait3A_33 = tpu.memref_slice %arg3[%add3A, %dma_wait3A_31, %dma_wait3A_32] : memref<32x64x128xi32, #tpu.memory_space<hbm>> -> memref<1x64x128xi32, #tpu.memory_space<hbm>>
      %dma_wait3A_34 = tpu.memref_squeeze %dma_wait3A_33 : memref<1x64x128xi32, #tpu.memory_space<hbm>> -> memref<64x128xi32, #tpu.memory_space<hbm>>
      tpu.wait_dma2 semaphore(%run_scoped3A : memref<!tpu.dma_semaphore, #tpu.memory_space<semaphore_mem>>) src(%dma_wait3A_34 : memref<64x128xi32, #tpu.memory_space<hbm>>) dst(%arg9 : memref<64x128xi32, #tpu.memory_space<vmem>>)
      tpu.yield
    }) : () -> ()
    "tpu.region"() ({
      %run_scoped3A = tpu.sem_alloc : memref<!tpu.dma_semaphore, #tpu.memory_space<semaphore_mem>>
      %dma_start3A_20 = arith.constant 0 : i32
      %dma_start3A_21 = arith.constant 0 : i32
      %dma_start3A_22 = tpu.memref_slice %arg4[%add3A, %dma_start3A_20, %dma_start3A_21] : memref<32x64x128xi32, #tpu.memory_space<hbm>> -> memref<1x64x128xi32, #tpu.memory_space<hbm>>
      %dma_start3A_23 = tpu.memref_squeeze %dma_start3A_22 : memref<1x64x128xi32, #tpu.memory_space<hbm>> -> memref<64x128xi32, #tpu.memory_space<hbm>>
      %dma_start3A_24 = arith.constant 0 : i32
      %dma_start3A_25 = arith.constant 0 : i32
      %dma_start3A_26 = tpu.memref_slice %arg4[%add3A, %dma_start3A_24, %dma_start3A_25] : memref<32x64x128xi32, #tpu.memory_space<hbm>> -> memref<1x64x128xi32, #tpu.memory_space<hbm>>
      %dma_start3A_27 = tpu.memref_squeeze %dma_start3A_26 : memref<1x64x128xi32, #tpu.memory_space<hbm>> -> memref<64x128xi32, #tpu.memory_space<hbm>>
      tpu.enqueue_dma source(%dma_start3A_27 : memref<64x128xi32, #tpu.memory_space<hbm>>) target(%arg10 : memref<64x128xi32, #tpu.memory_space<vmem>>) target_semaphore(%run_scoped3A : memref<!tpu.dma_semaphore, #tpu.memory_space<semaphore_mem>>)
      %dma_wait3A = arith.constant 0 : i32
      %dma_wait3A_28 = arith.constant 0 : i32
      %dma_wait3A_29 = tpu.memref_slice %arg4[%add3A, %dma_wait3A, %dma_wait3A_28] : memref<32x64x128xi32, #tpu.memory_space<hbm>> -> memref<1x64x128xi32, #tpu.memory_space<hbm>>
      %dma_wait3A_30 = tpu.memref_squeeze %dma_wait3A_29 : memref<1x64x128xi32, #tpu.memory_space<hbm>> -> memref<64x128xi32, #tpu.memory_space<hbm>>
      %dma_wait3A_31 = arith.constant 0 : i32
      %dma_wait3A_32 = arith.constant 0 : i32
      %dma_wait3A_33 = tpu.memref_slice %arg4[%add3A, %dma_wait3A_31, %dma_wait3A_32] : memref<32x64x128xi32, #tpu.memory_space<hbm>> -> memref<1x64x128xi32, #tpu.memory_space<hbm>>
      %dma_wait3A_34 = tpu.memref_squeeze %dma_wait3A_33 : memref<1x64x128xi32, #tpu.memory_space<hbm>> -> memref<64x128xi32, #tpu.memory_space<hbm>>
      tpu.wait_dma2 semaphore(%run_scoped3A : memref<!tpu.dma_semaphore, #tpu.memory_space<semaphore_mem>>) src(%dma_wait3A_34 : memref<64x128xi32, #tpu.memory_space<hbm>>) dst(%arg10 : memref<64x128xi32, #tpu.memory_space<vmem>>)
      tpu.yield
    }) : () -> ()
    %barrier3A = arith.constant 0 : index
    tpu.barrier barrier_id(%barrier3A)
    %broadcast_in_dim3A = arith.constant 1.000000e+00 : f32
    %broadcast_in_dim3A_3 = vector.broadcast %broadcast_in_dim3A : f32 to vector<16xf32>
    %dma_start3A = arith.constant 0 : i32
    %dma_start3A_4 = arith.constant 0 : i32
    %dma_start3A_5 = tpu.memref_slice %arg9[%dma_start3A, %dma_start3A_4] : memref<64x128xi32, #tpu.memory_space<vmem>> -> memref<1x128xi32, #tpu.memory_space<vmem>>
    %dma_start3A_6 = tpu.memref_squeeze %dma_start3A_5 : memref<1x128xi32, #tpu.memory_space<vmem>> -> memref<128xi32, #tpu.memory_space<vmem>>
    %dma_start3A_7 = arith.constant 0 : i32
    %dma_start3A_8 = arith.constant 0 : i32
    %dma_start3A_9 = tpu.memref_slice %arg2[%dma_start3A_7, %dma_start3A_8] : memref<16384x64xf32, #tpu.memory_space<hbm>> -> memref<16384x64xf32, #tpu.memory_space<hbm>>
    tpu.enqueue_indirect_dma source(%dma_start3A_9 : memref<16384x64xf32, #tpu.memory_space<hbm>>) target(%arg11 : memref<128x64xf32, #tpu.memory_space<vmem>>) offsets(%dma_start3A_6 : memref<128xi32, #tpu.memory_space<vmem>>) semaphore(%arg15 : memref<!tpu.dma_semaphore, #tpu.memory_space<semaphore_mem>>)
    %scan3A = arith.constant 0 : i32
    %scan3A_10 = arith.constant 0 : i32
    %scan3A_11 = arith.constant 32 : i32
    %scan3A_12 = arith.addi %scan3A_10, %scan3A_11 : i32
    %scan3A_13 = arith.constant 1 : i32
    scf.for %scan3A_20 = %scan3A_10 to %scan3A_12 step %scan3A_13  : i32 {
      %mul3A_21 = arith.constant 2 : i32
      %mul3A_22 = arith.muli %mul3A_21, %scan3A_20 : i32
      %add3A_23 = arith.constant 1 : i32
      %add3A_24 = arith.addi %mul3A_22, %add3A_23 : i32
      %dma_wait3A = arith.constant 0 : i32
      %dma_wait3A_25 = tpu.memref_slice %arg9[%mul3A_22, %dma_wait3A] : memref<64x128xi32, #tpu.memory_space<vmem>> -> memref<1x128xi32, #tpu.memory_space<vmem>>
      %dma_wait3A_26 = tpu.memref_squeeze %dma_wait3A_25 : memref<1x128xi32, #tpu.memory_space<vmem>> -> memref<128xi32, #tpu.memory_space<vmem>>
      %dma_wait3A_27 = arith.constant 0 : i32
      %dma_wait3A_28 = arith.constant 0 : i32
      %dma_wait3A_29 = tpu.memref_slice %arg2[%dma_wait3A_27, %dma_wait3A_28] : memref<16384x64xf32, #tpu.memory_space<hbm>> -> memref<16384x64xf32, #tpu.memory_space<hbm>>
      tpu.wait_indirect_dma semaphore(%arg15 : memref<!tpu.dma_semaphore, #tpu.memory_space<semaphore_mem>>) src(%dma_wait3A_29 : memref<16384x64xf32, #tpu.memory_space<hbm>>) dst(%arg11 : memref<128x64xf32, #tpu.memory_space<vmem>>)
      %dma_start3A_30 = arith.constant 0 : i32
      %dma_start3A_31 = tpu.memref_slice %arg9[%add3A_24, %dma_start3A_30] : memref<64x128xi32, #tpu.memory_space<vmem>> -> memref<1x128xi32, #tpu.memory_space<vmem>>
      %dma_start3A_32 = tpu.memref_squeeze %dma_start3A_31 : memref<1x128xi32, #tpu.memory_space<vmem>> -> memref<128xi32, #tpu.memory_space<vmem>>
      %dma_start3A_33 = arith.constant 0 : i32
      %dma_start3A_34 = arith.constant 0 : i32
      %dma_start3A_35 = tpu.memref_slice %arg2[%dma_start3A_33, %dma_start3A_34] : memref<16384x64xf32, #tpu.memory_space<hbm>> -> memref<16384x64xf32, #tpu.memory_space<hbm>>
      tpu.enqueue_indirect_dma source(%dma_start3A_35 : memref<16384x64xf32, #tpu.memory_space<hbm>>) target(%arg12 : memref<128x64xf32, #tpu.memory_space<vmem>>) offsets(%dma_start3A_32 : memref<128xi32, #tpu.memory_space<vmem>>) semaphore(%arg16 : memref<!tpu.dma_semaphore, #tpu.memory_space<semaphore_mem>>)
      "tpu.region"() ({
        %run_scoped3A = tpu.sem_alloc : memref<!tpu.dma_semaphore, #tpu.memory_space<semaphore_mem>>
        %dma_start3A_91 = arith.constant 0 : i32
        %dma_start3A_92 = tpu.memref_slice %arg10[%mul3A_22, %dma_start3A_91] : memref<64x128xi32, #tpu.memory_space<vmem>> -> memref<1x128xi32, #tpu.memory_space<vmem>>
        %dma_start3A_93 = tpu.memref_squeeze %dma_start3A_92 : memref<1x128xi32, #tpu.memory_space<vmem>> -> memref<128xi32, #tpu.memory_space<vmem>>
        %dma_start3A_94 = arith.constant 0 : i32
        %dma_start3A_95 = arith.constant 0 : i32
        %dma_start3A_96 = tpu.memref_slice %arg14[%dma_start3A_94, %dma_start3A_95] : memref<16384x64xf32, #tpu.memory_space<vmem_shared>> -> memref<16384x64xf32, #tpu.memory_space<vmem_shared>>
        tpu.enqueue_indirect_dma source(%arg11 : memref<128x64xf32, #tpu.memory_space<vmem>>) target(%dma_start3A_96 : memref<16384x64xf32, #tpu.memory_space<vmem_shared>>) offsets(%dma_start3A_93 : memref<128xi32, #tpu.memory_space<vmem>>) semaphore(%run_scoped3A : memref<!tpu.dma_semaphore, #tpu.memory_space<semaphore_mem>>) {add = true}
        %dma_wait3A_97 = arith.constant 0 : i32
        %dma_wait3A_98 = tpu.memref_slice %arg10[%mul3A_22, %dma_wait3A_97] : memref<64x128xi32, #tpu.memory_space<vmem>> -> memref<1x128xi32, #tpu.memory_space<vmem>>
        %dma_wait3A_99 = tpu.memref_squeeze %dma_wait3A_98 : memref<1x128xi32, #tpu.memory_space<vmem>> -> memref<128xi32, #tpu.memory_space<vmem>>
        %dma_wait3A_100 = arith.constant 0 : i32
        %dma_wait3A_101 = arith.constant 0 : i32
        %dma_wait3A_102 = tpu.memref_slice %arg14[%dma_wait3A_100, %dma_wait3A_101] : memref<16384x64xf32, #tpu.memory_space<vmem_shared>> -> memref<16384x64xf32, #tpu.memory_space<vmem_shared>>
        tpu.wait_indirect_dma semaphore(%run_scoped3A : memref<!tpu.dma_semaphore, #tpu.memory_space<semaphore_mem>>) src(%arg11 : memref<128x64xf32, #tpu.memory_space<vmem>>) dst(%dma_wait3A_102 : memref<16384x64xf32, #tpu.memory_space<vmem_shared>>)
        tpu.yield
      }) : () -> ()
      %get3A = arith.index_cast %mul3A_22 : i32 to index
      %get3A_36 = arith.constant 0 : index
      %get3A_37 = tpu.vector_load %arg10[%get3A, %get3A_36] {strides = array<i32>} : memref<64x128xi32, #tpu.memory_space<vmem>>, vector<16xi32>,
      tpu.vector_store_idx %arg13[%get3A_37], %broadcast_in_dim3A_3 {add = true} : memref<16384xf32, #tpu.memory_space<vmem>>[vector<16xi32>], vector<16xf32>,
      %get3A_38 = arith.index_cast %mul3A_22 : i32 to index
      %get3A_39 = arith.constant 16 : index
      %get3A_40 = tpu.vector_load %arg10[%get3A_38, %get3A_39] {strides = array<i32>} : memref<64x128xi32, #tpu.memory_space<vmem>>, vector<16xi32>,
      tpu.vector_store_idx %arg13[%get3A_40], %broadcast_in_dim3A_3 {add = true} : memref<16384xf32, #tpu.memory_space<vmem>>[vector<16xi32>], vector<16xf32>,
      %get3A_41 = arith.index_cast %mul3A_22 : i32 to index
      %get3A_42 = arith.constant 32 : index
      %get3A_43 = tpu.vector_load %arg10[%get3A_41, %get3A_42] {strides = array<i32>} : memref<64x128xi32, #tpu.memory_space<vmem>>, vector<16xi32>,
      tpu.vector_store_idx %arg13[%get3A_43], %broadcast_in_dim3A_3 {add = true} : memref<16384xf32, #tpu.memory_space<vmem>>[vector<16xi32>], vector<16xf32>,
      %get3A_44 = arith.index_cast %mul3A_22 : i32 to index
      %get3A_45 = arith.constant 48 : index
      %get3A_46 = tpu.vector_load %arg10[%get3A_44, %get3A_45] {strides = array<i32>} : memref<64x128xi32, #tpu.memory_space<vmem>>, vector<16xi32>,
      tpu.vector_store_idx %arg13[%get3A_46], %broadcast_in_dim3A_3 {add = true} : memref<16384xf32, #tpu.memory_space<vmem>>[vector<16xi32>], vector<16xf32>,
      %get3A_47 = arith.index_cast %mul3A_22 : i32 to index
      %get3A_48 = arith.constant 64 : index
      %get3A_49 = tpu.vector_load %arg10[%get3A_47, %get3A_48] {strides = array<i32>} : memref<64x128xi32, #tpu.memory_space<vmem>>, vector<16xi32>,
      tpu.vector_store_idx %arg13[%get3A_49], %broadcast_in_dim3A_3 {add = true} : memref<16384xf32, #tpu.memory_space<vmem>>[vector<16xi32>], vector<16xf32>,
      %get3A_50 = arith.index_cast %mul3A_22 : i32 to index
      %get3A_51 = arith.constant 80 : index
      %get3A_52 = tpu.vector_load %arg10[%get3A_50, %get3A_51] {strides = array<i32>} : memref<64x128xi32, #tpu.memory_space<vmem>>, vector<16xi32>,
      tpu.vector_store_idx %arg13[%get3A_52], %broadcast_in_dim3A_3 {add = true} : memref<16384xf32, #tpu.memory_space<vmem>>[vector<16xi32>], vector<16xf32>,
      %get3A_53 = arith.index_cast %mul3A_22 : i32 to index
      %get3A_54 = arith.constant 96 : index
      %get3A_55 = tpu.vector_load %arg10[%get3A_53, %get3A_54] {strides = array<i32>} : memref<64x128xi32, #tpu.memory_space<vmem>>, vector<16xi32>,
      tpu.vector_store_idx %arg13[%get3A_55], %broadcast_in_dim3A_3 {add = true} : memref<16384xf32, #tpu.memory_space<vmem>>[vector<16xi32>], vector<16xf32>,
      %get3A_56 = arith.index_cast %mul3A_22 : i32 to index
      %get3A_57 = arith.constant 112 : index
      %get3A_58 = tpu.vector_load %arg10[%get3A_56, %get3A_57] {strides = array<i32>} : memref<64x128xi32, #tpu.memory_space<vmem>>, vector<16xi32>,
      tpu.vector_store_idx %arg13[%get3A_58], %broadcast_in_dim3A_3 {add = true} : memref<16384xf32, #tpu.memory_space<vmem>>[vector<16xi32>], vector<16xf32>,
      %dma_wait3A_59 = arith.constant 0 : i32
      %dma_wait3A_60 = tpu.memref_slice %arg9[%add3A_24, %dma_wait3A_59] : memref<64x128xi32, #tpu.memory_space<vmem>> -> memref<1x128xi32, #tpu.memory_space<vmem>>
      %dma_wait3A_61 = tpu.memref_squeeze %dma_wait3A_60 : memref<1x128xi32, #tpu.memory_space<vmem>> -> memref<128xi32, #tpu.memory_space<vmem>>
      %dma_wait3A_62 = arith.constant 0 : i32
      %dma_wait3A_63 = arith.constant 0 : i32
      %dma_wait3A_64 = tpu.memref_slice %arg2[%dma_wait3A_62, %dma_wait3A_63] : memref<16384x64xf32, #tpu.memory_space<hbm>> -> memref<16384x64xf32, #tpu.memory_space<hbm>>
      tpu.wait_indirect_dma semaphore(%arg16 : memref<!tpu.dma_semaphore, #tpu.memory_space<semaphore_mem>>) src(%dma_wait3A_64 : memref<16384x64xf32, #tpu.memory_space<hbm>>) dst(%arg12 : memref<128x64xf32, #tpu.memory_space<vmem>>)
      %lt3A = arith.constant 63 : i32
      %lt3A_65 = arith.cmpi slt, %add3A_24, %lt3A : i32
      %convert_element_type3A = arith.extui %lt3A_65 : i1 to i32
      %cond3A = arith.constant 0 : i32
      %cond3A_66 = arith.cmpi ne, %convert_element_type3A, %cond3A : i32
      scf.if %cond3A_66 {
        %add3A_91 = arith.constant 2 : i32
        %add3A_92 = arith.addi %mul3A_22, %add3A_91 : i32
        %dma_start3A_93 = arith.constant 0 : i32
        %dma_start3A_94 = tpu.memref_slice %arg9[%add3A_92, %dma_start3A_93] : memref<64x128xi32, #tpu.memory_space<vmem>> -> memref<1x128xi32, #tpu.memory_space<vmem>>
        %dma_start3A_95 = tpu.memref_squeeze %dma_start3A_94 : memref<1x128xi32, #tpu.memory_space<vmem>> -> memref<128xi32, #tpu.memory_space<vmem>>
        %dma_start3A_96 = arith.constant 0 : i32
        %dma_start3A_97 = arith.constant 0 : i32
        %dma_start3A_98 = tpu.memref_slice %arg2[%dma_start3A_96, %dma_start3A_97] : memref<16384x64xf32, #tpu.memory_space<hbm>> -> memref<16384x64xf32, #tpu.memory_space<hbm>>
        tpu.enqueue_indirect_dma source(%dma_start3A_98 : memref<16384x64xf32, #tpu.memory_space<hbm>>) target(%arg11 : memref<128x64xf32, #tpu.memory_space<vmem>>) offsets(%dma_start3A_95 : memref<128xi32, #tpu.memory_space<vmem>>) semaphore(%arg15 : memref<!tpu.dma_semaphore, #tpu.memory_space<semaphore_mem>>)
      } else {
      }
      "tpu.region"() ({
        %run_scoped3A = tpu.sem_alloc : memref<!tpu.dma_semaphore, #tpu.memory_space<semaphore_mem>>
        %dma_start3A_91 = arith.constant 0 : i32
        %dma_start3A_92 = tpu.memref_slice %arg10[%add3A_24, %dma_start3A_91] : memref<64x128xi32, #tpu.memory_space<vmem>> -> memref<1x128xi32, #tpu.memory_space<vmem>>
        %dma_start3A_93 = tpu.memref_squeeze %dma_start3A_92 : memref<1x128xi32, #tpu.memory_space<vmem>> -> memref<128xi32, #tpu.memory_space<vmem>>
        %dma_start3A_94 = arith.constant 0 : i32
        %dma_start3A_95 = arith.constant 0 : i32
        %dma_start3A_96 = tpu.memref_slice %arg14[%dma_start3A_94, %dma_start3A_95] : memref<16384x64xf32, #tpu.memory_space<vmem_shared>> -> memref<16384x64xf32, #tpu.memory_space<vmem_shared>>
        tpu.enqueue_indirect_dma source(%arg12 : memref<128x64xf32, #tpu.memory_space<vmem>>) target(%dma_start3A_96 : memref<16384x64xf32, #tpu.memory_space<vmem_shared>>) offsets(%dma_start3A_93 : memref<128xi32, #tpu.memory_space<vmem>>) semaphore(%run_scoped3A : memref<!tpu.dma_semaphore, #tpu.memory_space<semaphore_mem>>) {add = true}
        %dma_wait3A_97 = arith.constant 0 : i32
        %dma_wait3A_98 = tpu.memref_slice %arg10[%add3A_24, %dma_wait3A_97] : memref<64x128xi32, #tpu.memory_space<vmem>> -> memref<1x128xi32, #tpu.memory_space<vmem>>
        %dma_wait3A_99 = tpu.memref_squeeze %dma_wait3A_98 : memref<1x128xi32, #tpu.memory_space<vmem>> -> memref<128xi32, #tpu.memory_space<vmem>>
        %dma_wait3A_100 = arith.constant 0 : i32
        %dma_wait3A_101 = arith.constant 0 : i32
        %dma_wait3A_102 = tpu.memref_slice %arg14[%dma_wait3A_100, %dma_wait3A_101] : memref<16384x64xf32, #tpu.memory_space<vmem_shared>> -> memref<16384x64xf32, #tpu.memory_space<vmem_shared>>
        tpu.wait_indirect_dma semaphore(%run_scoped3A : memref<!tpu.dma_semaphore, #tpu.memory_space<semaphore_mem>>) src(%arg12 : memref<128x64xf32, #tpu.memory_space<vmem>>) dst(%dma_wait3A_102 : memref<16384x64xf32, #tpu.memory_space<vmem_shared>>)
        tpu.yield
      }) : () -> ()
      %get3A_67 = arith.index_cast %add3A_24 : i32 to index
      %get3A_68 = arith.constant 0 : index
      %get3A_69 = tpu.vector_load %arg10[%get3A_67, %get3A_68] {strides = array<i32>} : memref<64x128xi32, #tpu.memory_space<vmem>>, vector<16xi32>,
      tpu.vector_store_idx %arg13[%get3A_69], %broadcast_in_dim3A_3 {add = true} : memref<16384xf32, #tpu.memory_space<vmem>>[vector<16xi32>], vector<16xf32>,
      %get3A_70 = arith.index_cast %add3A_24 : i32 to index
      %get3A_71 = arith.constant 16 : index
      %get3A_72 = tpu.vector_load %arg10[%get3A_70, %get3A_71] {strides = array<i32>} : memref<64x128xi32, #tpu.memory_space<vmem>>, vector<16xi32>,
      tpu.vector_store_idx %arg13[%get3A_72], %broadcast_in_dim3A_3 {add = true} : memref<16384xf32, #tpu.memory_space<vmem>>[vector<16xi32>], vector<16xf32>,
      %get3A_73 = arith.index_cast %add3A_24 : i32 to index
      %get3A_74 = arith.constant 32 : index
      %get3A_75 = tpu.vector_load %arg10[%get3A_73, %get3A_74] {strides = array<i32>} : memref<64x128xi32, #tpu.memory_space<vmem>>, vector<16xi32>,
      tpu.vector_store_idx %arg13[%get3A_75], %broadcast_in_dim3A_3 {add = true} : memref<16384xf32, #tpu.memory_space<vmem>>[vector<16xi32>], vector<16xf32>,
      %get3A_76 = arith.index_cast %add3A_24 : i32 to index
      %get3A_77 = arith.constant 48 : index
      %get3A_78 = tpu.vector_load %arg10[%get3A_76, %get3A_77] {strides = array<i32>} : memref<64x128xi32, #tpu.memory_space<vmem>>, vector<16xi32>,
      tpu.vector_store_idx %arg13[%get3A_78], %broadcast_in_dim3A_3 {add = true} : memref<16384xf32, #tpu.memory_space<vmem>>[vector<16xi32>], vector<16xf32>,
      %get3A_79 = arith.index_cast %add3A_24 : i32 to index
      %get3A_80 = arith.constant 64 : index
      %get3A_81 = tpu.vector_load %arg10[%get3A_79, %get3A_80] {strides = array<i32>} : memref<64x128xi32, #tpu.memory_space<vmem>>, vector<16xi32>,
      tpu.vector_store_idx %arg13[%get3A_81], %broadcast_in_dim3A_3 {add = true} : memref<16384xf32, #tpu.memory_space<vmem>>[vector<16xi32>], vector<16xf32>,
      %get3A_82 = arith.index_cast %add3A_24 : i32 to index
      %get3A_83 = arith.constant 80 : index
      %get3A_84 = tpu.vector_load %arg10[%get3A_82, %get3A_83] {strides = array<i32>} : memref<64x128xi32, #tpu.memory_space<vmem>>, vector<16xi32>,
      tpu.vector_store_idx %arg13[%get3A_84], %broadcast_in_dim3A_3 {add = true} : memref<16384xf32, #tpu.memory_space<vmem>>[vector<16xi32>], vector<16xf32>,
      %get3A_85 = arith.index_cast %add3A_24 : i32 to index
      %get3A_86 = arith.constant 96 : index
      %get3A_87 = tpu.vector_load %arg10[%get3A_85, %get3A_86] {strides = array<i32>} : memref<64x128xi32, #tpu.memory_space<vmem>>, vector<16xi32>,
      tpu.vector_store_idx %arg13[%get3A_87], %broadcast_in_dim3A_3 {add = true} : memref<16384xf32, #tpu.memory_space<vmem>>[vector<16xi32>], vector<16xf32>,
      %get3A_88 = arith.index_cast %add3A_24 : i32 to index
      %get3A_89 = arith.constant 112 : index
      %get3A_90 = tpu.vector_load %arg10[%get3A_88, %get3A_89] {strides = array<i32>} : memref<64x128xi32, #tpu.memory_space<vmem>>, vector<16xi32>,
      tpu.vector_store_idx %arg13[%get3A_90], %broadcast_in_dim3A_3 {add = true} : memref<16384xf32, #tpu.memory_space<vmem>>[vector<16xi32>], vector<16xf32>,
    }
    %scan3A_14 = arith.constant 32 : i32
    %barrier3A_15 = arith.constant 0 : index
    tpu.barrier barrier_id(%barrier3A_15)
    %mul3A_16 = arith.constant 1024 : i32
    %mul3A_17 = arith.muli %arg1, %mul3A_16 : i32
    %mul3A_18 = arith.constant 1024 : i32
    %mul3A_19 = arith.muli %arg1, %mul3A_18 : i32
    "tpu.region"() ({
      %run_scoped3A = tpu.sem_alloc : memref<!tpu.dma_semaphore, #tpu.memory_space<semaphore_mem>>
      %dma_start3A_20 = arith.constant 0 : i32
      %dma_start3A_21 = tpu.memref_slice %arg7[%arg0, %mul3A_19, %dma_start3A_20] : memref<2x16384x64xf32, #tpu.memory_space<hbm>> -> memref<1x1024x64xf32, #tpu.memory_space<hbm>>
      %dma_start3A_22 = tpu.memref_squeeze %dma_start3A_21 : memref<1x1024x64xf32, #tpu.memory_space<hbm>> -> memref<1024x64xf32, #tpu.memory_space<hbm>>
      %dma_start3A_23 = arith.constant 0 : i32
      %dma_start3A_24 = tpu.memref_slice %arg14[%mul3A_17, %dma_start3A_23] : memref<16384x64xf32, #tpu.memory_space<vmem_shared>> -> memref<1024x64xf32, #tpu.memory_space<vmem_shared>>
      tpu.enqueue_dma source(%dma_start3A_24 : memref<1024x64xf32, #tpu.memory_space<vmem_shared>>) target(%dma_start3A_22 : memref<1024x64xf32, #tpu.memory_space<hbm>>) target_semaphore(%run_scoped3A : memref<!tpu.dma_semaphore, #tpu.memory_space<semaphore_mem>>)
      %dma_wait3A = arith.constant 0 : i32
      %dma_wait3A_25 = tpu.memref_slice %arg7[%arg0, %mul3A_19, %dma_wait3A] : memref<2x16384x64xf32, #tpu.memory_space<hbm>> -> memref<1x1024x64xf32, #tpu.memory_space<hbm>>
      %dma_wait3A_26 = tpu.memref_squeeze %dma_wait3A_25 : memref<1x1024x64xf32, #tpu.memory_space<hbm>> -> memref<1024x64xf32, #tpu.memory_space<hbm>>
      %dma_wait3A_27 = arith.constant 0 : i32
      %dma_wait3A_28 = tpu.memref_slice %arg14[%mul3A_17, %dma_wait3A_27] : memref<16384x64xf32, #tpu.memory_space<vmem_shared>> -> memref<1024x64xf32, #tpu.memory_space<vmem_shared>>
      tpu.wait_dma2 semaphore(%run_scoped3A : memref<!tpu.dma_semaphore, #tpu.memory_space<semaphore_mem>>) src(%dma_wait3A_28 : memref<1024x64xf32, #tpu.memory_space<vmem_shared>>) dst(%dma_wait3A_26 : memref<1024x64xf32, #tpu.memory_space<hbm>>)
      tpu.yield
    }) : () -> ()
    "tpu.region"() ({
      %run_scoped3A = tpu.sem_alloc : memref<!tpu.dma_semaphore, #tpu.memory_space<semaphore_mem>>
      %dma_start3A_20 = arith.constant 0 : i32
      %dma_start3A_21 = tpu.memref_slice %arg8[%add3A, %dma_start3A_20] : memref<32x16384xf32, #tpu.memory_space<hbm>> -> memref<1x16384xf32, #tpu.memory_space<hbm>>
      %dma_start3A_22 = tpu.memref_squeeze %dma_start3A_21 : memref<1x16384xf32, #tpu.memory_space<hbm>> -> memref<16384xf32, #tpu.memory_space<hbm>>
      %dma_start3A_23 = arith.constant 0 : i32
      %dma_start3A_24 = tpu.memref_slice %arg8[%add3A, %dma_start3A_23] : memref<32x16384xf32, #tpu.memory_space<hbm>> -> memref<1x16384xf32, #tpu.memory_space<hbm>>
      %dma_start3A_25 = tpu.memref_squeeze %dma_start3A_24 : memref<1x16384xf32, #tpu.memory_space<hbm>> -> memref<16384xf32, #tpu.memory_space<hbm>>
      tpu.enqueue_dma source(%arg13 : memref<16384xf32, #tpu.memory_space<vmem>>) target(%dma_start3A_25 : memref<16384xf32, #tpu.memory_space<hbm>>) target_semaphore(%run_scoped3A : memref<!tpu.dma_semaphore, #tpu.memory_space<semaphore_mem>>)
      %dma_wait3A = arith.constant 0 : i32
      %dma_wait3A_26 = tpu.memref_slice %arg8[%add3A, %dma_wait3A] : memref<32x16384xf32, #tpu.memory_space<hbm>> -> memref<1x16384xf32, #tpu.memory_space<hbm>>
      %dma_wait3A_27 = tpu.memref_squeeze %dma_wait3A_26 : memref<1x16384xf32, #tpu.memory_space<hbm>> -> memref<16384xf32, #tpu.memory_space<hbm>>
      %dma_wait3A_28 = arith.constant 0 : i32
      %dma_wait3A_29 = tpu.memref_slice %arg8[%add3A, %dma_wait3A_28] : memref<32x16384xf32, #tpu.memory_space<hbm>> -> memref<1x16384xf32, #tpu.memory_space<hbm>>
      %dma_wait3A_30 = tpu.memref_squeeze %dma_wait3A_29 : memref<1x16384xf32, #tpu.memory_space<hbm>> -> memref<16384xf32, #tpu.memory_space<hbm>>
      tpu.wait_dma2 semaphore(%run_scoped3A : memref<!tpu.dma_semaphore, #tpu.memory_space<semaphore_mem>>) src(%arg13 : memref<16384xf32, #tpu.memory_space<vmem>>) dst(%dma_wait3A_30 : memref<16384xf32, #tpu.memory_space<hbm>>)
      tpu.yield
    }) : () -> ()
    return
  }
}

module attributes {stable_mosaic.version = 14 : i64} {
  func.func @_emb_body(%arg0: i32, %arg1: memref<4096x128xf32, #tpu.memory_space<vmem>>, %arg2: memref<128x64xf32, #tpu.memory_space<vmem>>, %arg3: memref<4096x64xf32, #tpu.memory_space<vmem>>) attributes {dimension_semantics = [#tpu.dimension_semantics<arbitrary>], iteration_bounds = array<i64: 4>, scalar_prefetch = 0 : i64, scratch_operands = 0 : i64, tpu.core_type = #tpu.core_type<tc>, window_params = [{transform_indices = @transform_0, window_bounds = array<i64: 4096, 128>}, {pipeline_mode = #tpu.pipeline_mode<synchronous>, transform_indices = @transform_1, window_bounds = array<i64: 128, 64>}, {transform_indices = @transform_2, window_bounds = array<i64: 4096, 64>}]} {
    %get3A = arith.constant 0 : index
    %get3A_0 = arith.constant 0 : index
    %get3A_1 = vector.load %arg1[%get3A, %get3A_0] : memref<4096x128xf32, #tpu.memory_space<vmem>>, vector<4096x128xf32>
    %get3A_2 = arith.constant 0 : index
    %get3A_3 = arith.constant 0 : index
    %get3A_4 = vector.load %arg2[%get3A_2, %get3A_3] : memref<128x64xf32, #tpu.memory_space<vmem>>, vector<128x64xf32>
    %dot_general3A = arith.constant dense<0.000000e+00> : vector<4096x64xf32>
    %dot_general3A_5 = tpu.matmul %get3A_1, %get3A_4, %dot_general3A {dimension_numbers = #tpu.dot_dimension_numbers<[1], [0], [0], [1], [0, 0, 1, 1], [], []>, transpose_lhs_hint = false} : vector<4096x128xf32>, vector<128x64xf32>, vector<4096x64xf32> -> vector<4096x64xf32>
    %swap3A = arith.constant 0 : index
    %swap3A_6 = arith.constant 0 : index
    %swap3A_7 = vector.load %arg3[%swap3A, %swap3A_6] : memref<4096x64xf32, #tpu.memory_space<vmem>>, vector<4096x64xf32>
    tpu.vector_store %arg3[%swap3A, %swap3A_6], %dot_general3A_5 {strides = array<i32>} : memref<4096x64xf32, #tpu.memory_space<vmem>>, vector<4096x64xf32>,
    return
  }
  func.func @transform_0(%arg0: i32) -> (i32, i32) {
    %c0_i32 = arith.constant 0 : i32
    %c0_i32_0 = arith.constant 0 : i32
    return %arg0, %c0_i32 : i32, i32
  }
  func.func @transform_1(%arg0: i32) -> (i32, i32) {
    %c0_i32 = arith.constant 0 : i32
    %c0_i32_0 = arith.constant 0 : i32
    %c0_i32_1 = arith.constant 0 : i32
    return %c0_i32, %c0_i32_0 : i32, i32
  }
  func.func @transform_2(%arg0: i32) -> (i32, i32) {
    %c0_i32 = arith.constant 0 : i32
    %c0_i32_0 = arith.constant 0 : i32
    return %arg0, %c0_i32 : i32, i32
  }
}

module attributes {stable_mosaic.version = 14 : i64} {
  func.func @_mine_body(%arg0: i32, %arg1: memref<512x128xf32, #tpu.memory_space<vmem>>, %arg2: memref<512x64xf32, #tpu.memory_space<vmem>>, %arg3: memref<512x64xf32, #tpu.memory_space<vmem>>, %arg4: memref<512x64xf32, #tpu.memory_space<vmem>>) attributes {dimension_semantics = [#tpu.dimension_semantics<arbitrary>], iteration_bounds = array<i64: 32>, scalar_prefetch = 0 : i64, scratch_operands = 0 : i64, tpu.core_type = #tpu.core_type<tc>, window_params = [{transform_indices = @transform_0, window_bounds = array<i64: 512, 128>}, {transform_indices = @transform_1, window_bounds = array<i64: 512, 64>}, {transform_indices = @transform_2, window_bounds = array<i64: 512, 64>}, {transform_indices = @transform_3, window_bounds = array<i64: 512, 64>}]} {
    %get3A = arith.constant 0 : index
    %get3A_0 = arith.constant 0 : index
    %get3A_1 = vector.load %arg1[%get3A, %get3A_0] : memref<512x128xf32, #tpu.memory_space<vmem>>, vector<512x128xf32>
    %mul3A = arith.mulf %get3A_1, %get3A_1 : vector<512x128xf32>
    %reduce_sum3A = arith.constant dense<0.000000e+00> : vector<512xf32>
    %reduce_sum3A_2 = vector.multi_reduction <add>, %mul3A, %reduce_sum3A [1] : vector<512x128xf32> to vector<512xf32>
    %broadcast_in_dim3A = vector.shape_cast %reduce_sum3A_2 : vector<512xf32> to vector<512x1xf32>
    %iota3A = tpu.iota {dimensions = array<i32: 0>} : vector<512x512xi32>
    %iota3A_3 = tpu.iota {dimensions = array<i32: 1>} : vector<512x512xi32>
    %eq3A = arith.cmpi eq, %iota3A, %iota3A_3 : vector<512x512xi32>
    %convert_element_type3A = arith.extui %eq3A : vector<512x512xi1> to vector<512x512xi32>
    %convert_element_type3A_4 = arith.sitofp %convert_element_type3A : vector<512x512xi32> to vector<512x512xf32>
    %dot_general3A = arith.constant dense<0.000000e+00> : vector<1x512xf32>
    %dot_general3A_5 = tpu.matmul %broadcast_in_dim3A, %convert_element_type3A_4, %dot_general3A {dimension_numbers = #tpu.dot_dimension_numbers<[0], [0], [1], [1], [0, 1, 1, 1], [], []>, precision = #tpu.contract_precision<fp32>, transpose_lhs_hint = false} : vector<512x1xf32>, vector<512x512xf32>, vector<1x512xf32> -> vector<1x512xf32>
    %dot_general3A_6 = arith.constant dense<0.000000e+00> : vector<512x512xf32>
    %dot_general3A_7 = tpu.matmul %get3A_1, %get3A_1, %dot_general3A_6 {dimension_numbers = #tpu.dot_dimension_numbers<[1], [1], [0], [0], [0, 0, 1, 0], [], []>, transpose_lhs_hint = false} : vector<512x128xf32>, vector<512x128xf32>, vector<512x512xf32> -> vector<512x512xf32>
    %add3A = vector.broadcast %broadcast_in_dim3A : vector<512x1xf32> to vector<512x512xf32>
    %add3A_8 = vector.broadcast %dot_general3A_5 : vector<1x512xf32> to vector<512x512xf32>
    %add3A_9 = arith.addf %add3A, %add3A_8 : vector<512x512xf32>
    %mul3A_10 = arith.constant 2.000000e+00 : f32
    %mul3A_11 = vector.broadcast %mul3A_10 : f32 to vector<512x512xf32>
    %mul3A_12 = arith.mulf %mul3A_11, %dot_general3A_7 : vector<512x512xf32>
    %sub3A = arith.subf %add3A_9, %mul3A_12 : vector<512x512xf32>
    %max3A = arith.constant 0.000000e+00 : f32
    %max3A_13 = vector.broadcast %max3A : f32 to vector<512x512xf32>
    %max3A_14 = arith.maximumf %sub3A, %max3A_13 : vector<512x512xf32>
    %sqrt3A = math.sqrt %max3A_14 : vector<512x512xf32>
    %get3A_15 = arith.constant 0 : index
    %get3A_16 = arith.constant 0 : index
    %get3A_17 = vector.load %arg2[%get3A_15, %get3A_16] : memref<512x64xf32, #tpu.memory_space<vmem>>, vector<512x64xf32>
    %convert_element_type3A_18 = arith.truncf %get3A_17 : vector<512x64xf32> to vector<512x64xbf16>
    %convert_element_type3A_19 = arith.extf %convert_element_type3A_18 : vector<512x64xbf16> to vector<512x64xf32>
    %sub3A_20 = arith.subf %get3A_17, %convert_element_type3A_19 : vector<512x64xf32>
    %convert_element_type3A_21 = arith.truncf %sub3A_20 : vector<512x64xf32> to vector<512x64xbf16>
    %convert_element_type3A_22 = arith.extf %convert_element_type3A_21 : vector<512x64xbf16> to vector<512x64xf32>
    %sub3A_23 = arith.subf %sub3A_20, %convert_element_type3A_22 : vector<512x64xf32>
    %convert_element_type3A_24 = arith.truncf %sub3A_23 : vector<512x64xf32> to vector<512x64xbf16>
    %reduce_min3A = arith.constant dense<0x7F800000> : vector<512xf32>
    %reduce_min3A_25 = vector.multi_reduction <minimumf>, %sqrt3A, %reduce_min3A [1] : vector<512x512xf32> to vector<512xf32>
    %broadcast_in_dim3A_26 = vector.shape_cast %reduce_min3A_25 : vector<512xf32> to vector<512x1xf32>
    %eq3A_27 = vector.broadcast %broadcast_in_dim3A_26 : vector<512x1xf32> to vector<512x512xf32>
    %eq3A_28 = arith.cmpf oeq, %sqrt3A, %eq3A_27 : vector<512x512xf32>
    %jit3A = arith.constant 1073741824 : i32
    %broadcast_in_dim3A_29 = vector.broadcast %jit3A : i32 to vector<512x512xi32>
    %select_n3A = arith.select %eq3A_28, %iota3A_3, %broadcast_in_dim3A_29 : vector<512x512xi1>, vector<512x512xi32>
    %reduce_min3A_30 = arith.constant dense<2147483647> : vector<512xi32>
    %reduce_min3A_31 = vector.multi_reduction <minsi>, %select_n3A, %reduce_min3A_30 [1] : vector<512x512xi32> to vector<512xi32>
    %broadcast_in_dim3A_32 = vector.shape_cast %reduce_min3A_31 : vector<512xi32> to vector<512x1xi32>
    %eq3A_33 = vector.broadcast %broadcast_in_dim3A_32 : vector<512x1xi32> to vector<512x512xi32>
    %eq3A_34 = arith.cmpi eq, %iota3A_3, %eq3A_33 : vector<512x512xi32>
    %jit3A_35 = arith.constant 3.000000e+38 : f32
    %broadcast_in_dim3A_36 = vector.broadcast %jit3A_35 : f32 to vector<512x512xf32>
    %select_n3A_37 = arith.select %eq3A_34, %broadcast_in_dim3A_36, %sqrt3A : vector<512x512xi1>, vector<512x512xf32>
    %reduce_min3A_38 = arith.constant dense<0x7F800000> : vector<512xf32>
    %reduce_min3A_39 = vector.multi_reduction <minimumf>, %select_n3A_37, %reduce_min3A_38 [1] : vector<512x512xf32> to vector<512xf32>
    %broadcast_in_dim3A_40 = vector.shape_cast %reduce_min3A_39 : vector<512xf32> to vector<512x1xf32>
    %eq3A_41 = vector.broadcast %broadcast_in_dim3A_40 : vector<512x1xf32> to vector<512x512xf32>
    %eq3A_42 = arith.cmpf oeq, %select_n3A_37, %eq3A_41 : vector<512x512xf32>
    %jit3A_43 = arith.constant 1073741824 : i32
    %broadcast_in_dim3A_44 = vector.broadcast %jit3A_43 : i32 to vector<512x512xi32>
    %select_n3A_45 = arith.select %eq3A_42, %iota3A_3, %broadcast_in_dim3A_44 : vector<512x512xi1>, vector<512x512xi32>
    %reduce_min3A_46 = arith.constant dense<2147483647> : vector<512xi32>
    %reduce_min3A_47 = vector.multi_reduction <minsi>, %select_n3A_45, %reduce_min3A_46 [1] : vector<512x512xi32> to vector<512xi32>
    %broadcast_in_dim3A_48 = vector.shape_cast %reduce_min3A_47 : vector<512xi32> to vector<512x1xi32>
    %eq3A_49 = vector.broadcast %broadcast_in_dim3A_48 : vector<512x1xi32> to vector<512x512xi32>
    %eq3A_50 = arith.cmpi eq, %iota3A_3, %eq3A_49 : vector<512x512xi32>
    %jit3A_51 = arith.constant 3.000000e+38 : f32
    %broadcast_in_dim3A_52 = vector.broadcast %jit3A_51 : f32 to vector<512x512xf32>
    %select_n3A_53 = arith.select %eq3A_50, %broadcast_in_dim3A_52, %select_n3A_37 : vector<512x512xi1>, vector<512x512xf32>
    %convert_element_type3A_54 = arith.extui %eq3A_50 : vector<512x512xi1> to vector<512x512xi32>
    %convert_element_type3A_55 = arith.sitofp %convert_element_type3A_54 : vector<512x512xi32> to vector<512x512xf32>
    %convert_element_type3A_56 = arith.truncf %convert_element_type3A_55 : vector<512x512xf32> to vector<512x512xbf16>
    %dot_general3A_57 = arith.constant dense<0.000000e+00> : vector<512x64xf32>
    %dot_general3A_58 = tpu.matmul %convert_element_type3A_56, %convert_element_type3A_18, %dot_general3A_57 {dimension_numbers = #tpu.dot_dimension_numbers<[1], [0], [0], [1], [0, 0, 1, 1], [], []>, transpose_lhs_hint = false} : vector<512x512xbf16>, vector<512x64xbf16>, vector<512x64xf32> -> vector<512x64xf32>
    %dot_general3A_59 = arith.constant dense<0.000000e+00> : vector<512x64xf32>
    %dot_general3A_60 = tpu.matmul %convert_element_type3A_56, %convert_element_type3A_21, %dot_general3A_59 {dimension_numbers = #tpu.dot_dimension_numbers<[1], [0], [0], [1], [0, 0, 1, 1], [], []>, transpose_lhs_hint = false} : vector<512x512xbf16>, vector<512x64xbf16>, vector<512x64xf32> -> vector<512x64xf32>
    %dot_general3A_61 = arith.constant dense<0.000000e+00> : vector<512x64xf32>
    %dot_general3A_62 = tpu.matmul %convert_element_type3A_56, %convert_element_type3A_24, %dot_general3A_61 {dimension_numbers = #tpu.dot_dimension_numbers<[1], [0], [0], [1], [0, 0, 1, 1], [], []>, transpose_lhs_hint = false} : vector<512x512xbf16>, vector<512x64xbf16>, vector<512x64xf32> -> vector<512x64xf32>
    %add3A_63 = arith.addf %dot_general3A_60, %dot_general3A_62 : vector<512x64xf32>
    %add3A_64 = arith.addf %dot_general3A_58, %add3A_63 : vector<512x64xf32>
    %sub3A_65 = arith.subf %get3A_17, %add3A_64 : vector<512x64xf32>
    %add3A_66 = arith.constant 9.99999997E-7 : f32
    %add3A_67 = vector.broadcast %add3A_66 : f32 to vector<512x64xf32>
    %add3A_68 = arith.addf %sub3A_65, %add3A_67 : vector<512x64xf32>
    %integer_pow3A = arith.mulf %add3A_68, %add3A_68 : vector<512x64xf32>
    %reduce_sum3A_69 = arith.constant dense<0.000000e+00> : vector<512xf32>
    %reduce_sum3A_70 = vector.multi_reduction <add>, %integer_pow3A, %reduce_sum3A_69 [1] : vector<512x64xf32> to vector<512xf32>
    %broadcast_in_dim3A_71 = vector.shape_cast %reduce_sum3A_70 : vector<512xf32> to vector<512x1xf32>
    %sqrt3A_72 = math.sqrt %broadcast_in_dim3A_71 : vector<512x1xf32>
    %reduce_min3A_73 = arith.constant dense<0x7F800000> : vector<512xf32>
    %reduce_min3A_74 = vector.multi_reduction <minimumf>, %select_n3A_53, %reduce_min3A_73 [1] : vector<512x512xf32> to vector<512xf32>
    %broadcast_in_dim3A_75 = vector.shape_cast %reduce_min3A_74 : vector<512xf32> to vector<512x1xf32>
    %eq3A_76 = vector.broadcast %broadcast_in_dim3A_75 : vector<512x1xf32> to vector<512x512xf32>
    %eq3A_77 = arith.cmpf oeq, %select_n3A_53, %eq3A_76 : vector<512x512xf32>
    %jit3A_78 = arith.constant 1073741824 : i32
    %broadcast_in_dim3A_79 = vector.broadcast %jit3A_78 : i32 to vector<512x512xi32>
    %select_n3A_80 = arith.select %eq3A_77, %iota3A_3, %broadcast_in_dim3A_79 : vector<512x512xi1>, vector<512x512xi32>
    %reduce_min3A_81 = arith.constant dense<2147483647> : vector<512xi32>
    %reduce_min3A_82 = vector.multi_reduction <minsi>, %select_n3A_80, %reduce_min3A_81 [1] : vector<512x512xi32> to vector<512xi32>
    %broadcast_in_dim3A_83 = vector.shape_cast %reduce_min3A_82 : vector<512xi32> to vector<512x1xi32>
    %eq3A_84 = vector.broadcast %broadcast_in_dim3A_83 : vector<512x1xi32> to vector<512x512xi32>
    %eq3A_85 = arith.cmpi eq, %iota3A_3, %eq3A_84 : vector<512x512xi32>
    %jit3A_86 = arith.constant 3.000000e+38 : f32
    %broadcast_in_dim3A_87 = vector.broadcast %jit3A_86 : f32 to vector<512x512xf32>
    %select_n3A_88 = arith.select %eq3A_85, %broadcast_in_dim3A_87, %select_n3A_53 : vector<512x512xi1>, vector<512x512xf32>
    %convert_element_type3A_89 = arith.extui %eq3A_85 : vector<512x512xi1> to vector<512x512xi32>
    %convert_element_type3A_90 = arith.sitofp %convert_element_type3A_89 : vector<512x512xi32> to vector<512x512xf32>
    %convert_element_type3A_91 = arith.truncf %convert_element_type3A_90 : vector<512x512xf32> to vector<512x512xbf16>
    %dot_general3A_92 = arith.constant dense<0.000000e+00> : vector<512x64xf32>
    %dot_general3A_93 = tpu.matmul %convert_element_type3A_91, %convert_element_type3A_18, %dot_general3A_92 {dimension_numbers = #tpu.dot_dimension_numbers<[1], [0], [0], [1], [0, 0, 1, 1], [], []>, transpose_lhs_hint = false} : vector<512x512xbf16>, vector<512x64xbf16>, vector<512x64xf32> -> vector<512x64xf32>
    %dot_general3A_94 = arith.constant dense<0.000000e+00> : vector<512x64xf32>
    %dot_general3A_95 = tpu.matmul %convert_element_type3A_91, %convert_element_type3A_21, %dot_general3A_94 {dimension_numbers = #tpu.dot_dimension_numbers<[1], [0], [0], [1], [0, 0, 1, 1], [], []>, transpose_lhs_hint = false} : vector<512x512xbf16>, vector<512x64xbf16>, vector<512x64xf32> -> vector<512x64xf32>
    %dot_general3A_96 = arith.constant dense<0.000000e+00> : vector<512x64xf32>
    %dot_general3A_97 = tpu.matmul %convert_element_type3A_91, %convert_element_type3A_24, %dot_general3A_96 {dimension_numbers = #tpu.dot_dimension_numbers<[1], [0], [0], [1], [0, 0, 1, 1], [], []>, transpose_lhs_hint = false} : vector<512x512xbf16>, vector<512x64xbf16>, vector<512x64xf32> -> vector<512x64xf32>
    %add3A_98 = arith.addf %dot_general3A_95, %dot_general3A_97 : vector<512x64xf32>
    %add3A_99 = arith.addf %dot_general3A_93, %add3A_98 : vector<512x64xf32>
    %sub3A_100 = arith.subf %get3A_17, %add3A_99 : vector<512x64xf32>
    %add3A_101 = arith.constant 9.99999997E-7 : f32
    %add3A_102 = vector.broadcast %add3A_101 : f32 to vector<512x64xf32>
    %add3A_103 = arith.addf %sub3A_100, %add3A_102 : vector<512x64xf32>
    %integer_pow3A_104 = arith.mulf %add3A_103, %add3A_103 : vector<512x64xf32>
    %reduce_sum3A_105 = arith.constant dense<0.000000e+00> : vector<512xf32>
    %reduce_sum3A_106 = vector.multi_reduction <add>, %integer_pow3A_104, %reduce_sum3A_105 [1] : vector<512x64xf32> to vector<512xf32>
    %broadcast_in_dim3A_107 = vector.shape_cast %reduce_sum3A_106 : vector<512xf32> to vector<512x1xf32>
    %sqrt3A_108 = math.sqrt %broadcast_in_dim3A_107 : vector<512x1xf32>
    %reduce_min3A_109 = arith.constant dense<0x7F800000> : vector<512xf32>
    %reduce_min3A_110 = vector.multi_reduction <minimumf>, %select_n3A_88, %reduce_min3A_109 [1] : vector<512x512xf32> to vector<512xf32>
    %broadcast_in_dim3A_111 = vector.shape_cast %reduce_min3A_110 : vector<512xf32> to vector<512x1xf32>
    %eq3A_112 = vector.broadcast %broadcast_in_dim3A_111 : vector<512x1xf32> to vector<512x512xf32>
    %eq3A_113 = arith.cmpf oeq, %select_n3A_88, %eq3A_112 : vector<512x512xf32>
    %jit3A_114 = arith.constant 1073741824 : i32
    %broadcast_in_dim3A_115 = vector.broadcast %jit3A_114 : i32 to vector<512x512xi32>
    %select_n3A_116 = arith.select %eq3A_113, %iota3A_3, %broadcast_in_dim3A_115 : vector<512x512xi1>, vector<512x512xi32>
    %reduce_min3A_117 = arith.constant dense<2147483647> : vector<512xi32>
    %reduce_min3A_118 = vector.multi_reduction <minsi>, %select_n3A_116, %reduce_min3A_117 [1] : vector<512x512xi32> to vector<512xi32>
    %broadcast_in_dim3A_119 = vector.shape_cast %reduce_min3A_118 : vector<512xi32> to vector<512x1xi32>
    %eq3A_120 = vector.broadcast %broadcast_in_dim3A_119 : vector<512x1xi32> to vector<512x512xi32>
    %eq3A_121 = arith.cmpi eq, %iota3A_3, %eq3A_120 : vector<512x512xi32>
    %jit3A_122 = arith.constant 3.000000e+38 : f32
    %broadcast_in_dim3A_123 = vector.broadcast %jit3A_122 : f32 to vector<512x512xf32>
    %select_n3A_124 = arith.select %eq3A_121, %broadcast_in_dim3A_123, %select_n3A_88 : vector<512x512xi1>, vector<512x512xf32>
    %convert_element_type3A_125 = arith.extui %eq3A_121 : vector<512x512xi1> to vector<512x512xi32>
    %convert_element_type3A_126 = arith.sitofp %convert_element_type3A_125 : vector<512x512xi32> to vector<512x512xf32>
    %convert_element_type3A_127 = arith.truncf %convert_element_type3A_126 : vector<512x512xf32> to vector<512x512xbf16>
    %dot_general3A_128 = arith.constant dense<0.000000e+00> : vector<512x64xf32>
    %dot_general3A_129 = tpu.matmul %convert_element_type3A_127, %convert_element_type3A_18, %dot_general3A_128 {dimension_numbers = #tpu.dot_dimension_numbers<[1], [0], [0], [1], [0, 0, 1, 1], [], []>, transpose_lhs_hint = false} : vector<512x512xbf16>, vector<512x64xbf16>, vector<512x64xf32> -> vector<512x64xf32>
    %dot_general3A_130 = arith.constant dense<0.000000e+00> : vector<512x64xf32>
    %dot_general3A_131 = tpu.matmul %convert_element_type3A_127, %convert_element_type3A_21, %dot_general3A_130 {dimension_numbers = #tpu.dot_dimension_numbers<[1], [0], [0], [1], [0, 0, 1, 1], [], []>, transpose_lhs_hint = false} : vector<512x512xbf16>, vector<512x64xbf16>, vector<512x64xf32> -> vector<512x64xf32>
    %dot_general3A_132 = arith.constant dense<0.000000e+00> : vector<512x64xf32>
    %dot_general3A_133 = tpu.matmul %convert_element_type3A_127, %convert_element_type3A_24, %dot_general3A_132 {dimension_numbers = #tpu.dot_dimension_numbers<[1], [0], [0], [1], [0, 0, 1, 1], [], []>, transpose_lhs_hint = false} : vector<512x512xbf16>, vector<512x64xbf16>, vector<512x64xf32> -> vector<512x64xf32>
    %add3A_134 = arith.addf %dot_general3A_131, %dot_general3A_133 : vector<512x64xf32>
    %add3A_135 = arith.addf %dot_general3A_129, %add3A_134 : vector<512x64xf32>
    %sub3A_136 = arith.subf %get3A_17, %add3A_135 : vector<512x64xf32>
    %add3A_137 = arith.constant 9.99999997E-7 : f32
    %add3A_138 = vector.broadcast %add3A_137 : f32 to vector<512x64xf32>
    %add3A_139 = arith.addf %sub3A_136, %add3A_138 : vector<512x64xf32>
    %integer_pow3A_140 = arith.mulf %add3A_139, %add3A_139 : vector<512x64xf32>
    %reduce_sum3A_141 = arith.constant dense<0.000000e+00> : vector<512xf32>
    %reduce_sum3A_142 = vector.multi_reduction <add>, %integer_pow3A_140, %reduce_sum3A_141 [1] : vector<512x64xf32> to vector<512xf32>
    %broadcast_in_dim3A_143 = vector.shape_cast %reduce_sum3A_142 : vector<512xf32> to vector<512x1xf32>
    %sqrt3A_144 = math.sqrt %broadcast_in_dim3A_143 : vector<512x1xf32>
    %reduce_min3A_145 = arith.constant dense<0x7F800000> : vector<512xf32>
    %reduce_min3A_146 = vector.multi_reduction <minimumf>, %select_n3A_124, %reduce_min3A_145 [1] : vector<512x512xf32> to vector<512xf32>
    %broadcast_in_dim3A_147 = vector.shape_cast %reduce_min3A_146 : vector<512xf32> to vector<512x1xf32>
    %eq3A_148 = vector.broadcast %broadcast_in_dim3A_147 : vector<512x1xf32> to vector<512x512xf32>
    %eq3A_149 = arith.cmpf oeq, %select_n3A_124, %eq3A_148 : vector<512x512xf32>
    %jit3A_150 = arith.constant 1073741824 : i32
    %broadcast_in_dim3A_151 = vector.broadcast %jit3A_150 : i32 to vector<512x512xi32>
    %select_n3A_152 = arith.select %eq3A_149, %iota3A_3, %broadcast_in_dim3A_151 : vector<512x512xi1>, vector<512x512xi32>
    %reduce_min3A_153 = arith.constant dense<2147483647> : vector<512xi32>
    %reduce_min3A_154 = vector.multi_reduction <minsi>, %select_n3A_152, %reduce_min3A_153 [1] : vector<512x512xi32> to vector<512xi32>
    %broadcast_in_dim3A_155 = vector.shape_cast %reduce_min3A_154 : vector<512xi32> to vector<512x1xi32>
    %eq3A_156 = vector.broadcast %broadcast_in_dim3A_155 : vector<512x1xi32> to vector<512x512xi32>
    %eq3A_157 = arith.cmpi eq, %iota3A_3, %eq3A_156 : vector<512x512xi32>
    %jit3A_158 = arith.constant 3.000000e+38 : f32
    %broadcast_in_dim3A_159 = vector.broadcast %jit3A_158 : f32 to vector<512x512xf32>
    %select_n3A_160 = arith.select %eq3A_157, %broadcast_in_dim3A_159, %select_n3A_124 : vector<512x512xi1>, vector<512x512xf32>
    %convert_element_type3A_161 = arith.extui %eq3A_157 : vector<512x512xi1> to vector<512x512xi32>
    %convert_element_type3A_162 = arith.sitofp %convert_element_type3A_161 : vector<512x512xi32> to vector<512x512xf32>
    %convert_element_type3A_163 = arith.truncf %convert_element_type3A_162 : vector<512x512xf32> to vector<512x512xbf16>
    %dot_general3A_164 = arith.constant dense<0.000000e+00> : vector<512x64xf32>
    %dot_general3A_165 = tpu.matmul %convert_element_type3A_163, %convert_element_type3A_18, %dot_general3A_164 {dimension_numbers = #tpu.dot_dimension_numbers<[1], [0], [0], [1], [0, 0, 1, 1], [], []>, transpose_lhs_hint = false} : vector<512x512xbf16>, vector<512x64xbf16>, vector<512x64xf32> -> vector<512x64xf32>
    %dot_general3A_166 = arith.constant dense<0.000000e+00> : vector<512x64xf32>
    %dot_general3A_167 = tpu.matmul %convert_element_type3A_163, %convert_element_type3A_21, %dot_general3A_166 {dimension_numbers = #tpu.dot_dimension_numbers<[1], [0], [0], [1], [0, 0, 1, 1], [], []>, transpose_lhs_hint = false} : vector<512x512xbf16>, vector<512x64xbf16>, vector<512x64xf32> -> vector<512x64xf32>
    %dot_general3A_168 = arith.constant dense<0.000000e+00> : vector<512x64xf32>
    %dot_general3A_169 = tpu.matmul %convert_element_type3A_163, %convert_element_type3A_24, %dot_general3A_168 {dimension_numbers = #tpu.dot_dimension_numbers<[1], [0], [0], [1], [0, 0, 1, 1], [], []>, transpose_lhs_hint = false} : vector<512x512xbf16>, vector<512x64xbf16>, vector<512x64xf32> -> vector<512x64xf32>
    %add3A_170 = arith.addf %dot_general3A_167, %dot_general3A_169 : vector<512x64xf32>
    %add3A_171 = arith.addf %dot_general3A_165, %add3A_170 : vector<512x64xf32>
    %sub3A_172 = arith.subf %get3A_17, %add3A_171 : vector<512x64xf32>
    %add3A_173 = arith.constant 9.99999997E-7 : f32
    %add3A_174 = vector.broadcast %add3A_173 : f32 to vector<512x64xf32>
    %add3A_175 = arith.addf %sub3A_172, %add3A_174 : vector<512x64xf32>
    %integer_pow3A_176 = arith.mulf %add3A_175, %add3A_175 : vector<512x64xf32>
    %reduce_sum3A_177 = arith.constant dense<0.000000e+00> : vector<512xf32>
    %reduce_sum3A_178 = vector.multi_reduction <add>, %integer_pow3A_176, %reduce_sum3A_177 [1] : vector<512x64xf32> to vector<512xf32>
    %broadcast_in_dim3A_179 = vector.shape_cast %reduce_sum3A_178 : vector<512xf32> to vector<512x1xf32>
    %sqrt3A_180 = math.sqrt %broadcast_in_dim3A_179 : vector<512x1xf32>
    %reduce_min3A_181 = arith.constant dense<0x7F800000> : vector<512xf32>
    %reduce_min3A_182 = vector.multi_reduction <minimumf>, %select_n3A_160, %reduce_min3A_181 [1] : vector<512x512xf32> to vector<512xf32>
    %broadcast_in_dim3A_183 = vector.shape_cast %reduce_min3A_182 : vector<512xf32> to vector<512x1xf32>
    %eq3A_184 = vector.broadcast %broadcast_in_dim3A_183 : vector<512x1xf32> to vector<512x512xf32>
    %eq3A_185 = arith.cmpf oeq, %select_n3A_160, %eq3A_184 : vector<512x512xf32>
    %jit3A_186 = arith.constant 1073741824 : i32
    %broadcast_in_dim3A_187 = vector.broadcast %jit3A_186 : i32 to vector<512x512xi32>
    %select_n3A_188 = arith.select %eq3A_185, %iota3A_3, %broadcast_in_dim3A_187 : vector<512x512xi1>, vector<512x512xi32>
    %reduce_min3A_189 = arith.constant dense<2147483647> : vector<512xi32>
    %reduce_min3A_190 = vector.multi_reduction <minsi>, %select_n3A_188, %reduce_min3A_189 [1] : vector<512x512xi32> to vector<512xi32>
    %broadcast_in_dim3A_191 = vector.shape_cast %reduce_min3A_190 : vector<512xi32> to vector<512x1xi32>
    %eq3A_192 = vector.broadcast %broadcast_in_dim3A_191 : vector<512x1xi32> to vector<512x512xi32>
    %eq3A_193 = arith.cmpi eq, %iota3A_3, %eq3A_192 : vector<512x512xi32>
    %convert_element_type3A_194 = arith.extui %eq3A_193 : vector<512x512xi1> to vector<512x512xi32>
    %convert_element_type3A_195 = arith.sitofp %convert_element_type3A_194 : vector<512x512xi32> to vector<512x512xf32>
    %convert_element_type3A_196 = arith.truncf %convert_element_type3A_195 : vector<512x512xf32> to vector<512x512xbf16>
    %dot_general3A_197 = arith.constant dense<0.000000e+00> : vector<512x64xf32>
    %dot_general3A_198 = tpu.matmul %convert_element_type3A_196, %convert_element_type3A_18, %dot_general3A_197 {dimension_numbers = #tpu.dot_dimension_numbers<[1], [0], [0], [1], [0, 0, 1, 1], [], []>, transpose_lhs_hint = false} : vector<512x512xbf16>, vector<512x64xbf16>, vector<512x64xf32> -> vector<512x64xf32>
    %dot_general3A_199 = arith.constant dense<0.000000e+00> : vector<512x64xf32>
    %dot_general3A_200 = tpu.matmul %convert_element_type3A_196, %convert_element_type3A_21, %dot_general3A_199 {dimension_numbers = #tpu.dot_dimension_numbers<[1], [0], [0], [1], [0, 0, 1, 1], [], []>, transpose_lhs_hint = false} : vector<512x512xbf16>, vector<512x64xbf16>, vector<512x64xf32> -> vector<512x64xf32>
    %dot_general3A_201 = arith.constant dense<0.000000e+00> : vector<512x64xf32>
    %dot_general3A_202 = tpu.matmul %convert_element_type3A_196, %convert_element_type3A_24, %dot_general3A_201 {dimension_numbers = #tpu.dot_dimension_numbers<[1], [0], [0], [1], [0, 0, 1, 1], [], []>, transpose_lhs_hint = false} : vector<512x512xbf16>, vector<512x64xbf16>, vector<512x64xf32> -> vector<512x64xf32>
    %add3A_203 = arith.addf %dot_general3A_200, %dot_general3A_202 : vector<512x64xf32>
    %add3A_204 = arith.addf %dot_general3A_198, %add3A_203 : vector<512x64xf32>
    %sub3A_205 = arith.subf %get3A_17, %add3A_204 : vector<512x64xf32>
    %add3A_206 = arith.constant 9.99999997E-7 : f32
    %add3A_207 = vector.broadcast %add3A_206 : f32 to vector<512x64xf32>
    %add3A_208 = arith.addf %sub3A_205, %add3A_207 : vector<512x64xf32>
    %integer_pow3A_209 = arith.mulf %add3A_208, %add3A_208 : vector<512x64xf32>
    %reduce_sum3A_210 = arith.constant dense<0.000000e+00> : vector<512xf32>
    %reduce_sum3A_211 = vector.multi_reduction <add>, %integer_pow3A_209, %reduce_sum3A_210 [1] : vector<512x64xf32> to vector<512xf32>
    %broadcast_in_dim3A_212 = vector.shape_cast %reduce_sum3A_211 : vector<512xf32> to vector<512x1xf32>
    %sqrt3A_213 = math.sqrt %broadcast_in_dim3A_212 : vector<512x1xf32>
    %gt3A = arith.cmpf ogt, %sqrt3A_108, %sqrt3A_72 : vector<512x1xf32>
    %select_n3A_214 = arith.select %gt3A, %sqrt3A_108, %sqrt3A_72 : vector<512x1xi1>, vector<512x1xf32>
    %broadcast_in_dim3A_215 = vector.shape_cast %gt3A : vector<512x1xi1> to vector<512x1xi1>
    %broadcast_in_dim3A_216 = vector.broadcast %broadcast_in_dim3A_215 : vector<512x1xi1> to vector<512x64xi1>
    %select_n3A_217 = arith.select %broadcast_in_dim3A_216, %add3A_99, %add3A_64 : vector<512x64xi1>, vector<512x64xf32>
    %gt3A_218 = arith.cmpf ogt, %sqrt3A_144, %select_n3A_214 : vector<512x1xf32>
    %select_n3A_219 = arith.select %gt3A_218, %sqrt3A_144, %select_n3A_214 : vector<512x1xi1>, vector<512x1xf32>
    %broadcast_in_dim3A_220 = vector.shape_cast %gt3A_218 : vector<512x1xi1> to vector<512x1xi1>
    %broadcast_in_dim3A_221 = vector.broadcast %broadcast_in_dim3A_220 : vector<512x1xi1> to vector<512x64xi1>
    %select_n3A_222 = arith.select %broadcast_in_dim3A_221, %add3A_135, %select_n3A_217 : vector<512x64xi1>, vector<512x64xf32>
    %gt3A_223 = arith.cmpf ogt, %sqrt3A_180, %select_n3A_219 : vector<512x1xf32>
    %select_n3A_224 = arith.select %gt3A_223, %sqrt3A_180, %select_n3A_219 : vector<512x1xi1>, vector<512x1xf32>
    %broadcast_in_dim3A_225 = vector.shape_cast %gt3A_223 : vector<512x1xi1> to vector<512x1xi1>
    %broadcast_in_dim3A_226 = vector.broadcast %broadcast_in_dim3A_225 : vector<512x1xi1> to vector<512x64xi1>
    %select_n3A_227 = arith.select %broadcast_in_dim3A_226, %add3A_171, %select_n3A_222 : vector<512x64xi1>, vector<512x64xf32>
    %gt3A_228 = arith.cmpf ogt, %sqrt3A_213, %select_n3A_224 : vector<512x1xf32>
    %broadcast_in_dim3A_229 = vector.shape_cast %gt3A_228 : vector<512x1xi1> to vector<512x1xi1>
    %broadcast_in_dim3A_230 = vector.broadcast %broadcast_in_dim3A_229 : vector<512x1xi1> to vector<512x64xi1>
    %select_n3A_231 = arith.select %broadcast_in_dim3A_230, %add3A_204, %select_n3A_227 : vector<512x64xi1>, vector<512x64xf32>
    %swap3A = arith.constant 0 : index
    %swap3A_232 = arith.constant 0 : index
    %swap3A_233 = vector.load %arg3[%swap3A, %swap3A_232] : memref<512x64xf32, #tpu.memory_space<vmem>>, vector<512x64xf32>
    tpu.vector_store %arg3[%swap3A, %swap3A_232], %select_n3A_231 {strides = array<i32>} : memref<512x64xf32, #tpu.memory_space<vmem>>, vector<512x64xf32>,
    %reduce_max3A = arith.constant dense<0xFF800000> : vector<512xf32>
    %reduce_max3A_234 = vector.multi_reduction <maximumf>, %sqrt3A, %reduce_max3A [1] : vector<512x512xf32> to vector<512xf32>
    %broadcast_in_dim3A_235 = vector.shape_cast %reduce_max3A_234 : vector<512xf32> to vector<512x1xf32>
    %eq3A_236 = vector.broadcast %broadcast_in_dim3A_235 : vector<512x1xf32> to vector<512x512xf32>
    %eq3A_237 = arith.cmpf oeq, %sqrt3A, %eq3A_236 : vector<512x512xf32>
    %jit3A_238 = arith.constant -1 : i32
    %broadcast_in_dim3A_239 = vector.broadcast %jit3A_238 : i32 to vector<512x512xi32>
    %select_n3A_240 = arith.select %eq3A_237, %iota3A_3, %broadcast_in_dim3A_239 : vector<512x512xi1>, vector<512x512xi32>
    %reduce_max3A_241 = arith.constant dense<-2147483648> : vector<512xi32>
    %reduce_max3A_242 = vector.multi_reduction <maxsi>, %select_n3A_240, %reduce_max3A_241 [1] : vector<512x512xi32> to vector<512xi32>
    %broadcast_in_dim3A_243 = vector.shape_cast %reduce_max3A_242 : vector<512xi32> to vector<512x1xi32>
    %eq3A_244 = vector.broadcast %broadcast_in_dim3A_243 : vector<512x1xi32> to vector<512x512xi32>
    %eq3A_245 = arith.cmpi eq, %iota3A_3, %eq3A_244 : vector<512x512xi32>
    %jit3A_246 = arith.constant -3.000000e+38 : f32
    %broadcast_in_dim3A_247 = vector.broadcast %jit3A_246 : f32 to vector<512x512xf32>
    %select_n3A_248 = arith.select %eq3A_245, %broadcast_in_dim3A_247, %sqrt3A : vector<512x512xi1>, vector<512x512xf32>
    %convert_element_type3A_249 = arith.extui %eq3A_245 : vector<512x512xi1> to vector<512x512xi32>
    %convert_element_type3A_250 = arith.sitofp %convert_element_type3A_249 : vector<512x512xi32> to vector<512x512xf32>
    %convert_element_type3A_251 = arith.truncf %convert_element_type3A_250 : vector<512x512xf32> to vector<512x512xbf16>
    %dot_general3A_252 = arith.constant dense<0.000000e+00> : vector<512x64xf32>
    %dot_general3A_253 = tpu.matmul %convert_element_type3A_251, %convert_element_type3A_18, %dot_general3A_252 {dimension_numbers = #tpu.dot_dimension_numbers<[1], [0], [0], [1], [0, 0, 1, 1], [], []>, transpose_lhs_hint = false} : vector<512x512xbf16>, vector<512x64xbf16>, vector<512x64xf32> -> vector<512x64xf32>
    %dot_general3A_254 = arith.constant dense<0.000000e+00> : vector<512x64xf32>
    %dot_general3A_255 = tpu.matmul %convert_element_type3A_251, %convert_element_type3A_21, %dot_general3A_254 {dimension_numbers = #tpu.dot_dimension_numbers<[1], [0], [0], [1], [0, 0, 1, 1], [], []>, transpose_lhs_hint = false} : vector<512x512xbf16>, vector<512x64xbf16>, vector<512x64xf32> -> vector<512x64xf32>
    %dot_general3A_256 = arith.constant dense<0.000000e+00> : vector<512x64xf32>
    %dot_general3A_257 = tpu.matmul %convert_element_type3A_251, %convert_element_type3A_24, %dot_general3A_256 {dimension_numbers = #tpu.dot_dimension_numbers<[1], [0], [0], [1], [0, 0, 1, 1], [], []>, transpose_lhs_hint = false} : vector<512x512xbf16>, vector<512x64xbf16>, vector<512x64xf32> -> vector<512x64xf32>
    %add3A_258 = arith.addf %dot_general3A_255, %dot_general3A_257 : vector<512x64xf32>
    %add3A_259 = arith.addf %dot_general3A_253, %add3A_258 : vector<512x64xf32>
    %sub3A_260 = arith.subf %get3A_17, %add3A_259 : vector<512x64xf32>
    %add3A_261 = arith.constant 9.99999997E-7 : f32
    %add3A_262 = vector.broadcast %add3A_261 : f32 to vector<512x64xf32>
    %add3A_263 = arith.addf %sub3A_260, %add3A_262 : vector<512x64xf32>
    %integer_pow3A_264 = arith.mulf %add3A_263, %add3A_263 : vector<512x64xf32>
    %reduce_sum3A_265 = arith.constant dense<0.000000e+00> : vector<512xf32>
    %reduce_sum3A_266 = vector.multi_reduction <add>, %integer_pow3A_264, %reduce_sum3A_265 [1] : vector<512x64xf32> to vector<512xf32>
    %broadcast_in_dim3A_267 = vector.shape_cast %reduce_sum3A_266 : vector<512xf32> to vector<512x1xf32>
    %sqrt3A_268 = math.sqrt %broadcast_in_dim3A_267 : vector<512x1xf32>
    %reduce_max3A_269 = arith.constant dense<0xFF800000> : vector<512xf32>
    %reduce_max3A_270 = vector.multi_reduction <maximumf>, %select_n3A_248, %reduce_max3A_269 [1] : vector<512x512xf32> to vector<512xf32>
    %broadcast_in_dim3A_271 = vector.shape_cast %reduce_max3A_270 : vector<512xf32> to vector<512x1xf32>
    %eq3A_272 = vector.broadcast %broadcast_in_dim3A_271 : vector<512x1xf32> to vector<512x512xf32>
    %eq3A_273 = arith.cmpf oeq, %select_n3A_248, %eq3A_272 : vector<512x512xf32>
    %jit3A_274 = arith.constant -1 : i32
    %broadcast_in_dim3A_275 = vector.broadcast %jit3A_274 : i32 to vector<512x512xi32>
    %select_n3A_276 = arith.select %eq3A_273, %iota3A_3, %broadcast_in_dim3A_275 : vector<512x512xi1>, vector<512x512xi32>
    %reduce_max3A_277 = arith.constant dense<-2147483648> : vector<512xi32>
    %reduce_max3A_278 = vector.multi_reduction <maxsi>, %select_n3A_276, %reduce_max3A_277 [1] : vector<512x512xi32> to vector<512xi32>
    %broadcast_in_dim3A_279 = vector.shape_cast %reduce_max3A_278 : vector<512xi32> to vector<512x1xi32>
    %eq3A_280 = vector.broadcast %broadcast_in_dim3A_279 : vector<512x1xi32> to vector<512x512xi32>
    %eq3A_281 = arith.cmpi eq, %iota3A_3, %eq3A_280 : vector<512x512xi32>
    %jit3A_282 = arith.constant -3.000000e+38 : f32
    %broadcast_in_dim3A_283 = vector.broadcast %jit3A_282 : f32 to vector<512x512xf32>
    %select_n3A_284 = arith.select %eq3A_281, %broadcast_in_dim3A_283, %select_n3A_248 : vector<512x512xi1>, vector<512x512xf32>
    %convert_element_type3A_285 = arith.extui %eq3A_281 : vector<512x512xi1> to vector<512x512xi32>
    %convert_element_type3A_286 = arith.sitofp %convert_element_type3A_285 : vector<512x512xi32> to vector<512x512xf32>
    %convert_element_type3A_287 = arith.truncf %convert_element_type3A_286 : vector<512x512xf32> to vector<512x512xbf16>
    %dot_general3A_288 = arith.constant dense<0.000000e+00> : vector<512x64xf32>
    %dot_general3A_289 = tpu.matmul %convert_element_type3A_287, %convert_element_type3A_18, %dot_general3A_288 {dimension_numbers = #tpu.dot_dimension_numbers<[1], [0], [0], [1], [0, 0, 1, 1], [], []>, transpose_lhs_hint = false} : vector<512x512xbf16>, vector<512x64xbf16>, vector<512x64xf32> -> vector<512x64xf32>
    %dot_general3A_290 = arith.constant dense<0.000000e+00> : vector<512x64xf32>
    %dot_general3A_291 = tpu.matmul %convert_element_type3A_287, %convert_element_type3A_21, %dot_general3A_290 {dimension_numbers = #tpu.dot_dimension_numbers<[1], [0], [0], [1], [0, 0, 1, 1], [], []>, transpose_lhs_hint = false} : vector<512x512xbf16>, vector<512x64xbf16>, vector<512x64xf32> -> vector<512x64xf32>
    %dot_general3A_292 = arith.constant dense<0.000000e+00> : vector<512x64xf32>
    %dot_general3A_293 = tpu.matmul %convert_element_type3A_287, %convert_element_type3A_24, %dot_general3A_292 {dimension_numbers = #tpu.dot_dimension_numbers<[1], [0], [0], [1], [0, 0, 1, 1], [], []>, transpose_lhs_hint = false} : vector<512x512xbf16>, vector<512x64xbf16>, vector<512x64xf32> -> vector<512x64xf32>
    %add3A_294 = arith.addf %dot_general3A_291, %dot_general3A_293 : vector<512x64xf32>
    %add3A_295 = arith.addf %dot_general3A_289, %add3A_294 : vector<512x64xf32>
    %sub3A_296 = arith.subf %get3A_17, %add3A_295 : vector<512x64xf32>
    %add3A_297 = arith.constant 9.99999997E-7 : f32
    %add3A_298 = vector.broadcast %add3A_297 : f32 to vector<512x64xf32>
    %add3A_299 = arith.addf %sub3A_296, %add3A_298 : vector<512x64xf32>
    %integer_pow3A_300 = arith.mulf %add3A_299, %add3A_299 : vector<512x64xf32>
    %reduce_sum3A_301 = arith.constant dense<0.000000e+00> : vector<512xf32>
    %reduce_sum3A_302 = vector.multi_reduction <add>, %integer_pow3A_300, %reduce_sum3A_301 [1] : vector<512x64xf32> to vector<512xf32>
    %broadcast_in_dim3A_303 = vector.shape_cast %reduce_sum3A_302 : vector<512xf32> to vector<512x1xf32>
    %sqrt3A_304 = math.sqrt %broadcast_in_dim3A_303 : vector<512x1xf32>
    %reduce_max3A_305 = arith.constant dense<0xFF800000> : vector<512xf32>
    %reduce_max3A_306 = vector.multi_reduction <maximumf>, %select_n3A_284, %reduce_max3A_305 [1] : vector<512x512xf32> to vector<512xf32>
    %broadcast_in_dim3A_307 = vector.shape_cast %reduce_max3A_306 : vector<512xf32> to vector<512x1xf32>
    %eq3A_308 = vector.broadcast %broadcast_in_dim3A_307 : vector<512x1xf32> to vector<512x512xf32>
    %eq3A_309 = arith.cmpf oeq, %select_n3A_284, %eq3A_308 : vector<512x512xf32>
    %jit3A_310 = arith.constant -1 : i32
    %broadcast_in_dim3A_311 = vector.broadcast %jit3A_310 : i32 to vector<512x512xi32>
    %select_n3A_312 = arith.select %eq3A_309, %iota3A_3, %broadcast_in_dim3A_311 : vector<512x512xi1>, vector<512x512xi32>
    %reduce_max3A_313 = arith.constant dense<-2147483648> : vector<512xi32>
    %reduce_max3A_314 = vector.multi_reduction <maxsi>, %select_n3A_312, %reduce_max3A_313 [1] : vector<512x512xi32> to vector<512xi32>
    %broadcast_in_dim3A_315 = vector.shape_cast %reduce_max3A_314 : vector<512xi32> to vector<512x1xi32>
    %eq3A_316 = vector.broadcast %broadcast_in_dim3A_315 : vector<512x1xi32> to vector<512x512xi32>
    %eq3A_317 = arith.cmpi eq, %iota3A_3, %eq3A_316 : vector<512x512xi32>
    %jit3A_318 = arith.constant -3.000000e+38 : f32
    %broadcast_in_dim3A_319 = vector.broadcast %jit3A_318 : f32 to vector<512x512xf32>
    %select_n3A_320 = arith.select %eq3A_317, %broadcast_in_dim3A_319, %select_n3A_284 : vector<512x512xi1>, vector<512x512xf32>
    %convert_element_type3A_321 = arith.extui %eq3A_317 : vector<512x512xi1> to vector<512x512xi32>
    %convert_element_type3A_322 = arith.sitofp %convert_element_type3A_321 : vector<512x512xi32> to vector<512x512xf32>
    %convert_element_type3A_323 = arith.truncf %convert_element_type3A_322 : vector<512x512xf32> to vector<512x512xbf16>
    %dot_general3A_324 = arith.constant dense<0.000000e+00> : vector<512x64xf32>
    %dot_general3A_325 = tpu.matmul %convert_element_type3A_323, %convert_element_type3A_18, %dot_general3A_324 {dimension_numbers = #tpu.dot_dimension_numbers<[1], [0], [0], [1], [0, 0, 1, 1], [], []>, transpose_lhs_hint = false} : vector<512x512xbf16>, vector<512x64xbf16>, vector<512x64xf32> -> vector<512x64xf32>
    %dot_general3A_326 = arith.constant dense<0.000000e+00> : vector<512x64xf32>
    %dot_general3A_327 = tpu.matmul %convert_element_type3A_323, %convert_element_type3A_21, %dot_general3A_326 {dimension_numbers = #tpu.dot_dimension_numbers<[1], [0], [0], [1], [0, 0, 1, 1], [], []>, transpose_lhs_hint = false} : vector<512x512xbf16>, vector<512x64xbf16>, vector<512x64xf32> -> vector<512x64xf32>
    %dot_general3A_328 = arith.constant dense<0.000000e+00> : vector<512x64xf32>
    %dot_general3A_329 = tpu.matmul %convert_element_type3A_323, %convert_element_type3A_24, %dot_general3A_328 {dimension_numbers = #tpu.dot_dimension_numbers<[1], [0], [0], [1], [0, 0, 1, 1], [], []>, transpose_lhs_hint = false} : vector<512x512xbf16>, vector<512x64xbf16>, vector<512x64xf32> -> vector<512x64xf32>
    %add3A_330 = arith.addf %dot_general3A_327, %dot_general3A_329 : vector<512x64xf32>
    %add3A_331 = arith.addf %dot_general3A_325, %add3A_330 : vector<512x64xf32>
    %sub3A_332 = arith.subf %get3A_17, %add3A_331 : vector<512x64xf32>
    %add3A_333 = arith.constant 9.99999997E-7 : f32
    %add3A_334 = vector.broadcast %add3A_333 : f32 to vector<512x64xf32>
    %add3A_335 = arith.addf %sub3A_332, %add3A_334 : vector<512x64xf32>
    %integer_pow3A_336 = arith.mulf %add3A_335, %add3A_335 : vector<512x64xf32>
    %reduce_sum3A_337 = arith.constant dense<0.000000e+00> : vector<512xf32>
    %reduce_sum3A_338 = vector.multi_reduction <add>, %integer_pow3A_336, %reduce_sum3A_337 [1] : vector<512x64xf32> to vector<512xf32>
    %broadcast_in_dim3A_339 = vector.shape_cast %reduce_sum3A_338 : vector<512xf32> to vector<512x1xf32>
    %sqrt3A_340 = math.sqrt %broadcast_in_dim3A_339 : vector<512x1xf32>
    %reduce_max3A_341 = arith.constant dense<0xFF800000> : vector<512xf32>
    %reduce_max3A_342 = vector.multi_reduction <maximumf>, %select_n3A_320, %reduce_max3A_341 [1] : vector<512x512xf32> to vector<512xf32>
    %broadcast_in_dim3A_343 = vector.shape_cast %reduce_max3A_342 : vector<512xf32> to vector<512x1xf32>
    %eq3A_344 = vector.broadcast %broadcast_in_dim3A_343 : vector<512x1xf32> to vector<512x512xf32>
    %eq3A_345 = arith.cmpf oeq, %select_n3A_320, %eq3A_344 : vector<512x512xf32>
    %jit3A_346 = arith.constant -1 : i32
    %broadcast_in_dim3A_347 = vector.broadcast %jit3A_346 : i32 to vector<512x512xi32>
    %select_n3A_348 = arith.select %eq3A_345, %iota3A_3, %broadcast_in_dim3A_347 : vector<512x512xi1>, vector<512x512xi32>
    %reduce_max3A_349 = arith.constant dense<-2147483648> : vector<512xi32>
    %reduce_max3A_350 = vector.multi_reduction <maxsi>, %select_n3A_348, %reduce_max3A_349 [1] : vector<512x512xi32> to vector<512xi32>
    %broadcast_in_dim3A_351 = vector.shape_cast %reduce_max3A_350 : vector<512xi32> to vector<512x1xi32>
    %eq3A_352 = vector.broadcast %broadcast_in_dim3A_351 : vector<512x1xi32> to vector<512x512xi32>
    %eq3A_353 = arith.cmpi eq, %iota3A_3, %eq3A_352 : vector<512x512xi32>
    %jit3A_354 = arith.constant -3.000000e+38 : f32
    %broadcast_in_dim3A_355 = vector.broadcast %jit3A_354 : f32 to vector<512x512xf32>
    %select_n3A_356 = arith.select %eq3A_353, %broadcast_in_dim3A_355, %select_n3A_320 : vector<512x512xi1>, vector<512x512xf32>
    %convert_element_type3A_357 = arith.extui %eq3A_353 : vector<512x512xi1> to vector<512x512xi32>
    %convert_element_type3A_358 = arith.sitofp %convert_element_type3A_357 : vector<512x512xi32> to vector<512x512xf32>
    %convert_element_type3A_359 = arith.truncf %convert_element_type3A_358 : vector<512x512xf32> to vector<512x512xbf16>
    %dot_general3A_360 = arith.constant dense<0.000000e+00> : vector<512x64xf32>
    %dot_general3A_361 = tpu.matmul %convert_element_type3A_359, %convert_element_type3A_18, %dot_general3A_360 {dimension_numbers = #tpu.dot_dimension_numbers<[1], [0], [0], [1], [0, 0, 1, 1], [], []>, transpose_lhs_hint = false} : vector<512x512xbf16>, vector<512x64xbf16>, vector<512x64xf32> -> vector<512x64xf32>
    %dot_general3A_362 = arith.constant dense<0.000000e+00> : vector<512x64xf32>
    %dot_general3A_363 = tpu.matmul %convert_element_type3A_359, %convert_element_type3A_21, %dot_general3A_362 {dimension_numbers = #tpu.dot_dimension_numbers<[1], [0], [0], [1], [0, 0, 1, 1], [], []>, transpose_lhs_hint = false} : vector<512x512xbf16>, vector<512x64xbf16>, vector<512x64xf32> -> vector<512x64xf32>
    %dot_general3A_364 = arith.constant dense<0.000000e+00> : vector<512x64xf32>
    %dot_general3A_365 = tpu.matmul %convert_element_type3A_359, %convert_element_type3A_24, %dot_general3A_364 {dimension_numbers = #tpu.dot_dimension_numbers<[1], [0], [0], [1], [0, 0, 1, 1], [], []>, transpose_lhs_hint = false} : vector<512x512xbf16>, vector<512x64xbf16>, vector<512x64xf32> -> vector<512x64xf32>
    %add3A_366 = arith.addf %dot_general3A_363, %dot_general3A_365 : vector<512x64xf32>
    %add3A_367 = arith.addf %dot_general3A_361, %add3A_366 : vector<512x64xf32>
    %sub3A_368 = arith.subf %get3A_17, %add3A_367 : vector<512x64xf32>
    %add3A_369 = arith.constant 9.99999997E-7 : f32
    %add3A_370 = vector.broadcast %add3A_369 : f32 to vector<512x64xf32>
    %add3A_371 = arith.addf %sub3A_368, %add3A_370 : vector<512x64xf32>
    %integer_pow3A_372 = arith.mulf %add3A_371, %add3A_371 : vector<512x64xf32>
    %reduce_sum3A_373 = arith.constant dense<0.000000e+00> : vector<512xf32>
    %reduce_sum3A_374 = vector.multi_reduction <add>, %integer_pow3A_372, %reduce_sum3A_373 [1] : vector<512x64xf32> to vector<512xf32>
    %broadcast_in_dim3A_375 = vector.shape_cast %reduce_sum3A_374 : vector<512xf32> to vector<512x1xf32>
    %sqrt3A_376 = math.sqrt %broadcast_in_dim3A_375 : vector<512x1xf32>
    %reduce_max3A_377 = arith.constant dense<0xFF800000> : vector<512xf32>
    %reduce_max3A_378 = vector.multi_reduction <maximumf>, %select_n3A_356, %reduce_max3A_377 [1] : vector<512x512xf32> to vector<512xf32>
    %broadcast_in_dim3A_379 = vector.shape_cast %reduce_max3A_378 : vector<512xf32> to vector<512x1xf32>
    %eq3A_380 = vector.broadcast %broadcast_in_dim3A_379 : vector<512x1xf32> to vector<512x512xf32>
    %eq3A_381 = arith.cmpf oeq, %select_n3A_356, %eq3A_380 : vector<512x512xf32>
    %jit3A_382 = arith.constant -1 : i32
    %broadcast_in_dim3A_383 = vector.broadcast %jit3A_382 : i32 to vector<512x512xi32>
    %select_n3A_384 = arith.select %eq3A_381, %iota3A_3, %broadcast_in_dim3A_383 : vector<512x512xi1>, vector<512x512xi32>
    %reduce_max3A_385 = arith.constant dense<-2147483648> : vector<512xi32>
    %reduce_max3A_386 = vector.multi_reduction <maxsi>, %select_n3A_384, %reduce_max3A_385 [1] : vector<512x512xi32> to vector<512xi32>
    %broadcast_in_dim3A_387 = vector.shape_cast %reduce_max3A_386 : vector<512xi32> to vector<512x1xi32>
    %eq3A_388 = vector.broadcast %broadcast_in_dim3A_387 : vector<512x1xi32> to vector<512x512xi32>
    %eq3A_389 = arith.cmpi eq, %iota3A_3, %eq3A_388 : vector<512x512xi32>
    %convert_element_type3A_390 = arith.extui %eq3A_389 : vector<512x512xi1> to vector<512x512xi32>
    %convert_element_type3A_391 = arith.sitofp %convert_element_type3A_390 : vector<512x512xi32> to vector<512x512xf32>
    %convert_element_type3A_392 = arith.truncf %convert_element_type3A_391 : vector<512x512xf32> to vector<512x512xbf16>
    %dot_general3A_393 = arith.constant dense<0.000000e+00> : vector<512x64xf32>
    %dot_general3A_394 = tpu.matmul %convert_element_type3A_392, %convert_element_type3A_18, %dot_general3A_393 {dimension_numbers = #tpu.dot_dimension_numbers<[1], [0], [0], [1], [0, 0, 1, 1], [], []>, transpose_lhs_hint = false} : vector<512x512xbf16>, vector<512x64xbf16>, vector<512x64xf32> -> vector<512x64xf32>
    %dot_general3A_395 = arith.constant dense<0.000000e+00> : vector<512x64xf32>
    %dot_general3A_396 = tpu.matmul %convert_element_type3A_392, %convert_element_type3A_21, %dot_general3A_395 {dimension_numbers = #tpu.dot_dimension_numbers<[1], [0], [0], [1], [0, 0, 1, 1], [], []>, transpose_lhs_hint = false} : vector<512x512xbf16>, vector<512x64xbf16>, vector<512x64xf32> -> vector<512x64xf32>
    %dot_general3A_397 = arith.constant dense<0.000000e+00> : vector<512x64xf32>
    %dot_general3A_398 = tpu.matmul %convert_element_type3A_392, %convert_element_type3A_24, %dot_general3A_397 {dimension_numbers = #tpu.dot_dimension_numbers<[1], [0], [0], [1], [0, 0, 1, 1], [], []>, transpose_lhs_hint = false} : vector<512x512xbf16>, vector<512x64xbf16>, vector<512x64xf32> -> vector<512x64xf32>
    %add3A_399 = arith.addf %dot_general3A_396, %dot_general3A_398 : vector<512x64xf32>
    %add3A_400 = arith.addf %dot_general3A_394, %add3A_399 : vector<512x64xf32>
    %sub3A_401 = arith.subf %get3A_17, %add3A_400 : vector<512x64xf32>
    %add3A_402 = arith.constant 9.99999997E-7 : f32
    %add3A_403 = vector.broadcast %add3A_402 : f32 to vector<512x64xf32>
    %add3A_404 = arith.addf %sub3A_401, %add3A_403 : vector<512x64xf32>
    %integer_pow3A_405 = arith.mulf %add3A_404, %add3A_404 : vector<512x64xf32>
    %reduce_sum3A_406 = arith.constant dense<0.000000e+00> : vector<512xf32>
    %reduce_sum3A_407 = vector.multi_reduction <add>, %integer_pow3A_405, %reduce_sum3A_406 [1] : vector<512x64xf32> to vector<512xf32>
    %broadcast_in_dim3A_408 = vector.shape_cast %reduce_sum3A_407 : vector<512xf32> to vector<512x1xf32>
    %sqrt3A_409 = math.sqrt %broadcast_in_dim3A_408 : vector<512x1xf32>
    %lt3A = arith.cmpf olt, %sqrt3A_376, %sqrt3A_409 : vector<512x1xf32>
    %select_n3A_410 = arith.select %lt3A, %sqrt3A_376, %sqrt3A_409 : vector<512x1xi1>, vector<512x1xf32>
    %broadcast_in_dim3A_411 = vector.shape_cast %lt3A : vector<512x1xi1> to vector<512x1xi1>
    %broadcast_in_dim3A_412 = vector.broadcast %broadcast_in_dim3A_411 : vector<512x1xi1> to vector<512x64xi1>
    %select_n3A_413 = arith.select %broadcast_in_dim3A_412, %add3A_367, %add3A_400 : vector<512x64xi1>, vector<512x64xf32>
    %lt3A_414 = arith.cmpf olt, %sqrt3A_340, %select_n3A_410 : vector<512x1xf32>
    %select_n3A_415 = arith.select %lt3A_414, %sqrt3A_340, %select_n3A_410 : vector<512x1xi1>, vector<512x1xf32>
    %broadcast_in_dim3A_416 = vector.shape_cast %lt3A_414 : vector<512x1xi1> to vector<512x1xi1>
    %broadcast_in_dim3A_417 = vector.broadcast %broadcast_in_dim3A_416 : vector<512x1xi1> to vector<512x64xi1>
    %select_n3A_418 = arith.select %broadcast_in_dim3A_417, %add3A_331, %select_n3A_413 : vector<512x64xi1>, vector<512x64xf32>
    %lt3A_419 = arith.cmpf olt, %sqrt3A_304, %select_n3A_415 : vector<512x1xf32>
    %select_n3A_420 = arith.select %lt3A_419, %sqrt3A_304, %select_n3A_415 : vector<512x1xi1>, vector<512x1xf32>
    %broadcast_in_dim3A_421 = vector.shape_cast %lt3A_419 : vector<512x1xi1> to vector<512x1xi1>
    %broadcast_in_dim3A_422 = vector.broadcast %broadcast_in_dim3A_421 : vector<512x1xi1> to vector<512x64xi1>
    %select_n3A_423 = arith.select %broadcast_in_dim3A_422, %add3A_295, %select_n3A_418 : vector<512x64xi1>, vector<512x64xf32>
    %lt3A_424 = arith.cmpf olt, %sqrt3A_268, %select_n3A_420 : vector<512x1xf32>
    %broadcast_in_dim3A_425 = vector.shape_cast %lt3A_424 : vector<512x1xi1> to vector<512x1xi1>
    %broadcast_in_dim3A_426 = vector.broadcast %broadcast_in_dim3A_425 : vector<512x1xi1> to vector<512x64xi1>
    %select_n3A_427 = arith.select %broadcast_in_dim3A_426, %add3A_259, %select_n3A_423 : vector<512x64xi1>, vector<512x64xf32>
    %swap3A_428 = arith.constant 0 : index
    %swap3A_429 = arith.constant 0 : index
    %swap3A_430 = vector.load %arg4[%swap3A_428, %swap3A_429] : memref<512x64xf32, #tpu.memory_space<vmem>>, vector<512x64xf32>
    tpu.vector_store %arg4[%swap3A_428, %swap3A_429], %select_n3A_427 {strides = array<i32>} : memref<512x64xf32, #tpu.memory_space<vmem>>, vector<512x64xf32>,
    return
  }
  func.func @transform_0(%arg0: i32) -> (i32, i32) {
    %c0_i32 = arith.constant 0 : i32
    %c0_i32_0 = arith.constant 0 : i32
    return %arg0, %c0_i32 : i32, i32
  }
  func.func @transform_1(%arg0: i32) -> (i32, i32) {
    %c0_i32 = arith.constant 0 : i32
    %c0_i32_0 = arith.constant 0 : i32
    return %arg0, %c0_i32 : i32, i32
  }
  func.func @transform_2(%arg0: i32) -> (i32, i32) {
    %c0_i32 = arith.constant 0 : i32
    %c0_i32_0 = arith.constant 0 : i32
    return %arg0, %c0_i32 : i32, i32
  }
  func.func @transform_3(%arg0: i32) -> (i32, i32) {
    %c0_i32 = arith.constant 0 : i32
    %c0_i32_0 = arith.constant 0 : i32
    return %arg0, %c0_i32 : i32, i32
  }
}

module attributes {stable_mosaic.version = 14 : i64} {
  func.func @_tail_body(%arg0: i32, %arg1: memref<2x2048x64xf32, #tpu.memory_space<vmem>>, %arg2: memref<32x2048xf32, #tpu.memory_space<vmem>>, %arg3: memref<64x64xf32, #tpu.memory_space<vmem>>, %arg4: memref<64x128xf32, #tpu.memory_space<vmem>>, %arg5: memref<2048x64xf32, #tpu.memory_space<vmem>>, %arg6: memref<2048x128xf32, #tpu.memory_space<vmem>>) attributes {dimension_semantics = [#tpu.dimension_semantics<arbitrary>], iteration_bounds = array<i64: 8>, scalar_prefetch = 0 : i64, scratch_operands = 0 : i64, tpu.core_type = #tpu.core_type<tc>, window_params = [{transform_indices = @transform_0, window_bounds = array<i64: 2, 2048, 64>}, {transform_indices = @transform_1, window_bounds = array<i64: 32, 2048>}, {pipeline_mode = #tpu.pipeline_mode<synchronous>, transform_indices = @transform_2, window_bounds = array<i64: 64, 64>}, {pipeline_mode = #tpu.pipeline_mode<synchronous>, transform_indices = @transform_3, window_bounds = array<i64: 64, 128>}, {transform_indices = @transform_4, window_bounds = array<i64: 2048, 64>}, {transform_indices = @transform_5, window_bounds = array<i64: 2048, 128>}]} {
    %get3A = arith.constant 0 : index
    %get3A_0 = arith.constant 0 : index
    %get3A_1 = arith.constant 0 : index
    %get3A_2 = vector.load %arg1[%get3A, %get3A_0, %get3A_1] : memref<2x2048x64xf32, #tpu.memory_space<vmem>>, vector<1x2048x64xf32>
    %get3A_3 = vector.shape_cast %get3A_2 : vector<1x2048x64xf32> to vector<2048x64xf32>
    %get3A_4 = arith.constant 1 : index
    %get3A_5 = arith.constant 0 : index
    %get3A_6 = arith.constant 0 : index
    %get3A_7 = vector.load %arg1[%get3A_4, %get3A_5, %get3A_6] : memref<2x2048x64xf32, #tpu.memory_space<vmem>>, vector<1x2048x64xf32>
    %get3A_8 = vector.shape_cast %get3A_7 : vector<1x2048x64xf32> to vector<2048x64xf32>
    %add3A = arith.addf %get3A_3, %get3A_8 : vector<2048x64xf32>
    %broadcast_in_dim3A = arith.constant 1.000000e+00 : f32
    %broadcast_in_dim3A_9 = vector.broadcast %broadcast_in_dim3A : f32 to vector<32x1xf32>
    %get3A_10 = arith.constant 0 : index
    %get3A_11 = arith.constant 0 : index
    %get3A_12 = vector.load %arg2[%get3A_10, %get3A_11] : memref<32x2048xf32, #tpu.memory_space<vmem>>, vector<32x2048xf32>
    %dot_general3A = arith.constant dense<0.000000e+00> : vector<2048x1xf32>
    %dot_general3A_13 = tpu.matmul %get3A_12, %broadcast_in_dim3A_9, %dot_general3A {dimension_numbers = #tpu.dot_dimension_numbers<[0], [0], [1], [1], [0, 1, 1, 1], [], []>, precision = #tpu.contract_precision<fp32>, transpose_lhs_hint = false} : vector<32x2048xf32>, vector<32x1xf32>, vector<2048x1xf32> -> vector<2048x1xf32>
    %max3A = arith.constant 1.000000e+00 : f32
    %max3A_14 = vector.broadcast %max3A : f32 to vector<2048x1xf32>
    %max3A_15 = arith.maximumf %dot_general3A_13, %max3A_14 : vector<2048x1xf32>
    %div3A = vector.broadcast %max3A_15 : vector<2048x1xf32> to vector<2048x64xf32>
    %div3A_16 = arith.divf %add3A, %div3A : vector<2048x64xf32>
    %get3A_17 = arith.constant 0 : index
    %get3A_18 = arith.constant 0 : index
    %get3A_19 = vector.load %arg3[%get3A_17, %get3A_18] : memref<64x64xf32, #tpu.memory_space<vmem>>, vector<64x64xf32>
    %dot_general3A_20 = arith.constant dense<0.000000e+00> : vector<2048x64xf32>
    %dot_general3A_21 = tpu.matmul %div3A_16, %get3A_19, %dot_general3A_20 {dimension_numbers = #tpu.dot_dimension_numbers<[1], [0], [0], [1], [0, 0, 1, 1], [], []>, transpose_lhs_hint = false} : vector<2048x64xf32>, vector<64x64xf32>, vector<2048x64xf32> -> vector<2048x64xf32>
    %max3A_22 = arith.constant 0.000000e+00 : f32
    %max3A_23 = vector.broadcast %max3A_22 : f32 to vector<2048x64xf32>
    %max3A_24 = arith.maximumf %dot_general3A_21, %max3A_23 : vector<2048x64xf32>
    %swap3A = arith.constant 0 : index
    %swap3A_25 = arith.constant 0 : index
    %swap3A_26 = vector.load %arg5[%swap3A, %swap3A_25] : memref<2048x64xf32, #tpu.memory_space<vmem>>, vector<2048x64xf32>
    tpu.vector_store %arg5[%swap3A, %swap3A_25], %max3A_24 {strides = array<i32>} : memref<2048x64xf32, #tpu.memory_space<vmem>>, vector<2048x64xf32>,
    %get3A_27 = arith.constant 0 : index
    %get3A_28 = arith.constant 0 : index
    %get3A_29 = vector.load %arg4[%get3A_27, %get3A_28] : memref<64x128xf32, #tpu.memory_space<vmem>>, vector<64x128xf32>
    %dot_general3A_30 = arith.constant dense<0.000000e+00> : vector<2048x128xf32>
    %dot_general3A_31 = tpu.matmul %max3A_24, %get3A_29, %dot_general3A_30 {dimension_numbers = #tpu.dot_dimension_numbers<[1], [0], [0], [1], [0, 0, 1, 1], [], []>, transpose_lhs_hint = false} : vector<2048x64xf32>, vector<64x128xf32>, vector<2048x128xf32> -> vector<2048x128xf32>
    %swap3A_32 = arith.constant 0 : index
    %swap3A_33 = arith.constant 0 : index
    %swap3A_34 = vector.load %arg6[%swap3A_32, %swap3A_33] : memref<2048x128xf32, #tpu.memory_space<vmem>>, vector<2048x128xf32>
    tpu.vector_store %arg6[%swap3A_32, %swap3A_33], %dot_general3A_31 {strides = array<i32>} : memref<2048x128xf32, #tpu.memory_space<vmem>>, vector<2048x128xf32>,
    return
  }
  func.func @transform_0(%arg0: i32) -> (i32, i32, i32) {
    %c0_i32 = arith.constant 0 : i32
    %c0_i32_0 = arith.constant 0 : i32
    %c0_i32_1 = arith.constant 0 : i32
    return %c0_i32, %arg0, %c0_i32_0 : i32, i32, i32
  }
  func.func @transform_1(%arg0: i32) -> (i32, i32) {
    %c0_i32 = arith.constant 0 : i32
    %c0_i32_0 = arith.constant 0 : i32
    return %c0_i32, %arg0 : i32, i32
  }
  func.func @transform_2(%arg0: i32) -> (i32, i32) {
    %c0_i32 = arith.constant 0 : i32
    %c0_i32_0 = arith.constant 0 : i32
    %c0_i32_1 = arith.constant 0 : i32
    return %c0_i32, %c0_i32_0 : i32, i32
  }
  func.func @transform_3(%arg0: i32) -> (i32, i32) {
    %c0_i32 = arith.constant 0 : i32
    %c0_i32_0 = arith.constant 0 : i32
    %c0_i32_1 = arith.constant 0 : i32
    return %c0_i32, %c0_i32_0 : i32, i32
  }
  func.func @transform_4(%arg0: i32) -> (i32, i32) {
    %c0_i32 = arith.constant 0 : i32
    %c0_i32_0 = arith.constant 0 : i32
    return %arg0, %c0_i32 : i32, i32
  }
  func.func @transform_5(%arg0: i32) -> (i32, i32) {
    %c0_i32 = arith.constant 0 : i32
    %c0_i32_0 = arith.constant 0 : i32
    return %arg0, %c0_i32 : i32, i32
  }
}

</mosaic_0001>

<sc_bundles>
// kernel: kernel.6.cloned.1.call-start
scs
__scs_entry_jumppad:
0x0: {  	(pc) =	sbr.rel $0x88, $3  }
0x1: {  	(tag) =	ssettag $0x0;
	lr =	simm.s32 $0x1  }
0x2: {  	[smem:$0x3F9C] =	sst lr;
	_ =	strace $0xD0000000  }
0x3: {  	_ = 	snop  }
0x4: {  	_ = 	snop  }
0x5: {  	_ = 	snop  }
0x6: {  	_ = 	snop  }
0x7: {  	_ = 	snop  }
__scs_overlays_trampoline_lowered:
0x8: {  	[smem:$0x3FAB] =	sst s0  }
0x9: {  	[smem:$0x3FAC] =	sst s1  }
0xa: {  	[smem:$0x3FAD] =	sst s2  }
0xb: {  	[smem:$0x3FAE] =	sst s3  }
0xc: {  	[smem:$0x3FAF] =	sst s4  }
0xd: {  	[smem:$0x3FB0] =	sst s5  }
0xe: {  	[smem:$0x3FB1] =	sst s6  }
0xf: {  	[smem:$0x3FB2] =	sst s7  }
0x10: {  	[smem:$0x3FB3] =	sst s8  }
0x11: {  	[smem:$0x3FB4] =	sst s9;
	s0 =	simm.s32 @!p0 $0x0  }
0x12: {  	s1 =	sld [smem:$0x3F9A];
	s0 =	simm.s32 @p0 $0x1  }
0x13: {  	[smem:$0x3FB5] =	sst s0;
	s0 =	simm.s32 @!p1 $0x0  }
0x14: {  	s2 =	sld [smem:$0x3F99];
	s0 =	simm.s32 @p1 $0x1  }
0x15: {  	[smem:$0x3FB6] =	sst s0;
	s0 =	simm.s32 @!p2 $0x0  }
0x16: {  	s3 =	sld [smem:$0x3FDB];
	s0 =	simm.s32 @p2 $0x1  }
0x17: {  	s4 =	simm.s32 $0x1BF5;
	[smem:$0x3FB8] =	sst s0  }
0x18: {  	s0 =	sld [smem:$0x3F9B];
	_ =	swait.ge [sflag:s4], $0x0  }
0x19: {  	s7 =	sld [smem:$0x3F9C]  }
0x1a: {  	s8 =	sadd.s32 $0xFFFFE003, lr  }
0x1b: {  	s9 =	sadd.s32 $0xFFFFFEF7, lr;
	s5 =	simm.s32 $0xFFFFFFFF;
	p2 =	slt.u32 s8, $0xFFFFF086  }
0x1c: {  	p1 =	slt.u32 s9, $0xF7A;
	s5 =	simm.s32 @!p2 $0x0  }
0x1d: {  	s5 =	simm.s32 @p1 $0x1;
	p0 =	seq.s32 s7, s2  }
0x1e: {  	s7 =	smul.u32 @!p0 $0xF7A, s2;
	p2 =	seq.s32 @!p0 s5, $0x0  }
0x1f: {  	s9 =	smul.u32 $0xF7A, s1;
	s8 =	simm.s32 @!p0 $0x1BF5;
	p2 =	por !p2, p0  }
0x20: {  	[sflag:s8] =	ssyncset.s32 @!p0 $0xFFFFF086;
	s6 =	sadd.s32 @!p0 s3, s7;
	s7 =	simm.s32 @!p0 $0x108  }
0x21: {  	s3 =	sadd.s32 s3, s9;
	s6 =	sadd.s32 @!p0 $0x88, s6;
	s7 =	simm.s32 @p2 $0x1082  }
0x22: {  	[simem:s7], [sflag:s8] =	dma.local @!p0 [hbm:s6], $0xF7A  }
0x23: {  	s9 =	sor.u32 $0xD0000000, s2;
	s6 =	simm.s32 $0x108;
	_ =	swait.ge @!p0 [sflag:s8], $0x0  }
0x24: {  	s3 =	sadd.s32 $0x88, s3;
	s6 =	simm.s32 @!p1 $0x1082;
	[sflag:s4] =	ssyncset.s32 $0xFFFFF086  }
0x25: {  	[simem:s6], [sflag:s4] =	dma.local [hbm:s3], $0xF7A  }
0x26: {  	[smem:$0x3F9C] =	sst s1;
	(tag) =	ssettag s2;
	_ =	strace s9  }
0x27: {  	s1 =	sld [smem:$0x3FAC]  }
0x28: {  	s2 =	sld [smem:$0x3FAD]  }
0x29: {  	s4 =	sld [smem:$0x3FAF]  }
0x2a: {  	p0 =	seq.s32 s5, $0x0;
	s5 =	sld [smem:$0x3FB0]  }
0x2b: {  	s6 =	sld [smem:$0x3FB1]  }
0x2c: {  	s7 =	sld [smem:$0x3FB2]  }
0x2d: {  	s3 =	simm.s32 $0x108;
	s8 =	sld [smem:$0x3FB3]  }
0x2e: {  	s3 =	simm.s32 @!p0 $0x1082;
	s9 =	sld [smem:$0x3FB4]  }
0x2f: {  	lr =	sadd.s32 s0, s3;
	s0 =	sld [smem:$0x3FAB]  }
0x30: {  	s3 =	sld [smem:$0x3FAE]  }
0x31: {  	[smem:$0x3FB7] =	sst s10  }
0x32: {  	s10 =	sld [smem:$0x3FB5];
	_ =	sdelay $0x3  }
0x33: {  	p0 =	seq.s32 s10, $0x1;
	s10 =	sld [smem:$0x3FB7];
	_ =	sdelay $0x3  }
0x34: {  	[smem:$0x3FB7] =	sst s10  }
0x35: {  	s10 =	sld [smem:$0x3FB6];
	_ =	sdelay $0x3  }
0x36: {  	p1 =	seq.s32 s10, $0x1;
	s10 =	sld [smem:$0x3FB7];
	_ =	sdelay $0x3  }
0x37: {  	[smem:$0x3FB7] =	sst s10  }
0x38: {  	s10 =	sld [smem:$0x3FB8]  }
0x39: {  	_ = 	snop;
	(pc) =	sbr.ind lr, $3  }
0x3a: {  	_ = 	snop  }
0x3b: {  	_ = 	snop  }
0x3c: {  	p2 =	seq.s32 s10, $0x1;
	s10 =	sld [smem:$0x3FB7]  }
0x3d: {  	_ =	shalt  }
0x3e: {  	_ =	shalt  }
0x3f: {  	_ =	shalt  }
0x40: {  	_ =	shalt  }
0x41: {  	_ =	shalt  }
0x42: {  	_ =	shalt  }
0x43: {  	_ =	shalt  }
0x44: {  	_ =	shalt  }
0x45: {  	_ =	shalt  }
0x46: {  	_ =	shalt  }
0x47: {  	_ =	shalt  }
0x48: {  	_ =	shalt  }
0x49: {  	_ =	shalt  }
0x4a: {  	_ =	shalt  }
0x4b: {  	_ =	shalt  }
0x4c: {  	_ =	shalt  }
0x4d: {  	_ =	shalt  }
0x4e: {  	_ =	shalt  }
0x4f: {  	_ =	shalt  }
0x50: {  	_ =	shalt  }
0x51: {  	_ =	shalt  }
0x52: {  	_ =	shalt  }
0x53: {  	_ =	shalt  }
0x54: {  	_ =	shalt  }
0x55: {  	_ =	shalt  }
0x56: {  	_ =	shalt  }
0x57: {  	_ =	shalt  }
0x58: {  	_ =	shalt  }
0x59: {  	_ =	shalt  }
0x5a: {  	_ =	shalt  }
0x5b: {  	_ =	shalt  }
0x5c: {  	_ =	shalt  }
0x5d: {  	_ =	shalt  }
0x5e: {  	_ =	shalt  }
0x5f: {  	_ =	shalt  }
0x60: {  	_ =	shalt  }
0x61: {  	_ =	shalt  }
0x62: {  	_ =	shalt  }
0x63: {  	_ =	shalt  }
0x64: {  	_ =	shalt  }
0x65: {  	_ =	shalt  }
0x66: {  	_ =	shalt  }
0x67: {  	_ =	shalt  }
0x68: {  	_ =	shalt  }
0x69: {  	_ =	shalt  }
0x6a: {  	_ =	shalt  }
0x6b: {  	_ =	shalt  }
0x6c: {  	_ =	shalt  }
0x6d: {  	_ =	shalt  }
0x6e: {  	_ =	shalt  }
0x6f: {  	_ =	shalt  }
0x70: {  	_ =	shalt  }
0x71: {  	_ =	shalt  }
0x72: {  	_ =	shalt  }
0x73: {  	_ =	shalt  }
0x74: {  	_ =	shalt  }
0x75: {  	_ =	shalt  }
0x76: {  	_ =	shalt  }
0x77: {  	_ =	shalt  }
0x78: {  	_ =	shalt  }
0x79: {  	_ =	shalt  }
0x7a: {  	_ =	shalt  }
0x7b: {  	_ =	shalt  }
0x7c: {  	_ =	shalt  }
0x7d: {  	_ =	shalt  }
0x7e: {  	_ =	shalt  }
0x7f: {  	_ =	shalt  }
0x80: {  	_ =	shalt  }
0x81: {  	_ =	shalt  }
0x82: {  	_ =	shalt  }
0x83: {  	_ =	shalt  }
0x84: {  	_ =	shalt  }
0x85: {  	_ =	shalt  }
0x86: {  	_ =	shalt  }
0x87: {  	_ =	shalt  }
.Lfunc_end0:
.L_simem_size_0:
called_computation_lowered:
.L_overlay_start_0:
0x88: {  	s2 =	sld [smem:$0x3FD9]  }
0x89: {  	s3 =	sld [smem:$0x3FFE];
	_ =	sdelay $0x1  }
0x8a: {  	s1 =	srdreg.scid  }
0x8b: {  	s0 =	sand.u32 $0x1, s1  }
0x8c: {  	s14 =	sshll.u32 s0, $0xA;
	s2 =	sadd.s32 s3, s2  }
0x8d: {  	s2 =	sadd.s32 s2, s14  }
0x8e: {  	[smem:$0x3FC3] =	sst s2  }
0x8f: {  	_ = 	snop  }
0x90: {  	s2 =	sld [smem:$0x3FD0];
	_ =	sdelay $0x2  }
0x91: {  	s15 =	simm.s32 $0xA;
	s4 =	simm.s32 $0x10  }
0x92: {  	[smem:s4], [sflag:s15] =	dma.local [hbm:s2], $0x1  }
0x93: {  	_ =	swait.eq [sflag:s15], $0x1  }
0x94: {  	[sflag:s15] =	ssyncset.done $0x0  }
0x95: {  	[sflag:s15] =	ssyncadd.s32 $0xFFFFFFFF  }
0x96: {  	s16 =	sld [smem:$0x11];
	(tm) =	ssettm $0x1  }
0x97: {  	s17 =	sld [smem:$0x3FFB];
	_ =	sdelay $0x3  }
0x98: {  	_ =	strace s17  }
0x99: {  	s3 =	sld [smem:$0x3FFC];
	_ =	sdelay $0x3  }
0x9a: {  	_ =	strace s3  }
0x9b: {  	s3 =	sld [smem:$0x3FFD];
	_ =	sdelay $0x3  }
0x9c: {  	_ =	strace s3  }
0x9d: {  	_ =	strace $0x8FFFFFFF  }
0x9e: {  	s18 =	sld [smem:$0x3FDB];
	_ =	sdelay $0x1  }
0x9f: {  	s19 =	simm.s32 $_scs_section_size  }
0xa0: {  	s5 =	simm.s32 $_size__tile_overlayer_lowered;
	s6 =	simm.s32 $_tile_overlayer_lowered  }
0xa1: {  	s22 =	simm.s32 $0x1BFF;
	s21 =	sshll.u32 s6, $0x1;
	s3 =	sadd.s32 s19, s18  }
0xa2: {  	s7 =	simm.s32 $0x0;
	s20 =	sshll.u32 s5, $0x1;
	s5 =	sadd.s32 s21, s3  }
0xa3: {  	[timem:s7], [sflag:s22] =	dma.local [hbm:s5], s20  }
0xa4: {  	_ =	swait.ge [sflag:s22], s20  }
0xa5: {  	s4 =	ssub.s32 $0x0, s20;
	[sflag:s22] =	ssyncset.done $0x0  }
0xa6: {  	[sflag:s22] =	ssyncadd.s32 s4;
	_ =	sdelay $0x1  }
0xa7: {  	s23 =	simm.s32 $0x1B8B  }
0xa8: {  	_ =	swait.ge [sflag:s23], $0x1  }
0xa9: {  	[sflag:s23] =	ssyncset.done $0x0  }
0xaa: {  	s25 =	simm.s32 $0x1B8E;
	s24 =	sld [smem:$0x3FFE];
	[sflag:s23] =	ssyncadd.s32 $0xFFFFFFFF  }
0xab: {  	s26 =	simm.s32 $execute0_lowered;
	[smem:$0x3FD2] =	sst s25  }
0xac: {  	s5 =	sshll.u32 s26, $0x1;
	_ =	strace $0x80000046;
	[dreg:$0x1] =	wrdreg $0xFFFFFFFF  }
0xad: {  	s28 =	simm.s32 $_size_execute0_lowered;
	s3 =	sadd.s32 s3, s5;
	[dreg:$0x0] =	wrdreg $0x0  }
0xae: {  	s5 =	sshll.u32 s28, $0x1;
	[dreg:$0x2] =	wrdreg s3  }
0xaf: {  	[dreg:$0x3] =	wrdreg s5  }
0xb0: {  	[dreg:$0x4] =	wrdreg $0xC0  }
0xb1: {  	_ =	task [dreg:s7], $0x5FFFF  }
0xb2: {  	[dreg:$0x1] =	wrdreg $0xFFFFFFFF  }
0xb3: {  	[dreg:$0x0] =	wrdreg $0x60  }
0xb4: {  	[dreg:$0x2] =	wrdreg s16  }
0xb5: {  	[dreg:$0x3] =	wrdreg s24  }
0xb6: {  	[dreg:$0x4] =	wrdreg $0xC0000  }
0xb7: {  	[dreg:$0x5] =	wrdreg $0x9  }
0xb8: {  	_ =	task.clear_ibuf [dreg:s7], $0x6FFFF;
	_ =	strace $0x90000046  }
0xb9: {  	s29 =	simm.s32 $0x9;
	_ =	strace $0x80000048  }
0xba: {  	_ =	swait.ge [sflag:s29], $0x1  }
0xbb: {  	[sflag:s29] =	ssyncadd.s32 $0xFFFFFFFF  }
0xbc: {  	_ =	strace $0x90000048  }
0xbd: {  	_ =	sfence  }
0xbe: {  	s30 =	sld [smem:$0x0];
	_ =	sdelay $0x2  }
0xbf: {  	s31 =	sshll.u32 s1, $0xD;
	s1 =	sshrl.u32 s1, $0x2  }
0xc0: {  	s3 =	sand.u32 $0x4000, s31;
	s1 =	sadd.s32 s1, s30  }
0xc1: {  	s0 =	sor.u32 s3, s0;
	s1 =	sshll.u32 s1, $0x11  }
0xc2: {  	s0 =	sor.u32 s1, s0  }
0xc3: {  	s0 =	sadd.s32 $0x8F2B, s0  }
0xc4: {  	[sflag:s0] =	ssyncadd.remote.s32 $0x1  }
0xc5: {  	_ =	sfence.sel $0xFFFF  }
0xc6: {  	[dreg:$0x0] =	wrdreg $0xFFFFFFFF;
	(pc) =	sbr.abs _section_cstart, $3  }
0xc7: {  	[dreg:$0x1] =	wrdreg $0xFFFFFFFF  }
0xc8: {  	_ =	task.clear_ibuf [dreg:s7], $0x2FFFF;
	_ =	strace $0x9FFFFFFF  }
0xc9: {  	(tm) =	ssettm $0x7FFFFFFF  }
tec
execute0_lowered:
.L_overlay_start_1:
0x0: {  	(tag) =	ssettag $0x1  }
0x1: {  	s1 =	rddreg [dreg:$0x0]  }
0x2: {  	s7 =	rddreg [dreg:$0x1]  }
0x3: {  	s3 =	rddreg [dreg:$0x2]  }
0x4: {  	s0 =	rddreg [dreg:$0x3];
	s5 =	srdreg.scid  }
0x5: {  	s2 =	stileid.u32;
	s4 =	simm.s32 $0x0;
	s16 =	simm.s32 $0x2000  }
0x6: {  	s17 =	simm.s32 $0x80;
	s18 =	simm.s32 $0x4000;
	s19 =	simm.s32 $0x1  }
0x7: {  	s20 =	simm.s32 $0x6000;
	s21 =	simm.s32 $0x2;
	s22 =	simm.s32 $0x1F80  }
0x8: {  	s23 =	simm.s32 $0x3F00;
	s24 =	simm.s32 $0x3F80;
	s25 =	simm.s32 $0x0  }
0x9: {  	s8 =	sand.u32 $0x1, s5;
	s29 =	sshll.u32 s2, $0x1;
	[smem:$0x7FF] =	sst s4  }
0xa: {  	s10 =	sshll.u32 s2, $0x10;
	s31 =	sshll.u32 s2, $0x6;
	s9 =	sor.u32 s8, s29  }
0xb: {  	s6 =	sshll.u32 s8, $0x14;
	_ =	strace $0x80000047;
	s8 =	ssub.s32 $0x2, s8  }
0xc: {  	s15 =	sadd.s32 s10, s3;
	s5 =	sshll.u32 s9, $0xA;
	s12 =	sor.u32 s10, s6  }
0xd: {  	s6 =	sadd.s32 $0x13C00, s7;
	s9 =	sshll.u32 s9, $0xB;
	s30 =	sshrl.u32 s8, $0x1  }
0xe: {  	s11 =	sadd.s32 s5, s7;
	s5 =	sadd.s32 $0x11C00, s7;
	s12 =	sshrl.u32 s12, $0x3  }
0xf: {  	s13 =	sadd.s32 s9, s7;
	s14 =	ssub.s32 s8, s30;
	s12 =	sadd.s32 s12, s7  }
0x10: {  	s7 =	sor.u32 $0x1C03, s31;
	s8 =	sadd.s32 $0x9C00, s11;
	s9 =	sadd.s32 $0x1C00, s11  }
0x11: {  	s11 =	sadd.s32 $0x54400, s13;
	s13 =	sshrl.u32 s15, $0x3;
	s15 =	simm.s32 $0x8000  }
0x12: {  	v0 =	vimm.f32 $1.000000000e+00;
	s10 =	sadd.s32 $0x14400, s12;
	s12 =	smax.u32 s14, $0x1;
	s14 =	simm.s32 $0x3  }
.LBB2_1:
0x13: {  	[spmem:s13], [sflag:s7] =	dma.local [hbm:s5], $0x2000  }
0x14: {  	_ =	swait.ge [sflag:s14], $0x2000  }
0x15: {  	[sflag:s14] =	ssyncset.done $0x0  }
0x16: {  	[sflag:s14] =	ssyncadd.s32 $0xFFFFE000  }
0x17: {  	[tilespmem:s15], [sflag:$0x3] =	stream.linear.gather [hbm4b:s6+s4], $0x4000, $0x38;
	[tilespmem:$0x1C000] =	vst v63  }
0x18: {  	_ =	swait.ge [sflag:s14], $0x4000  }
0x19: {  	[sflag:s14] =	ssyncset.done $0x0  }
0x1a: {  	[sflag:s14] =	ssyncadd.s32 $0xFFFFC000  }
0x1b: {  	[tilespmem:s4], [sflag:$0x3] =	stream.linear.gather [hbm4b:s8+s4], $0x2000, $0x38;
	[tilespmem:$0x1C000] =	vst v63  }
0x1c: {  	_ =	swait.ge [sflag:s14], $0x2000  }
0x1d: {  	[sflag:s14] =	ssyncset.done $0x0  }
0x1e: {  	[sflag:s14] =	ssyncadd.s32 $0xFFFFE000  }
0x1f: {  	[tilespmem:s16], [sflag:$0x3] =	stream.linear.gather [hbm4b:s9+s4], $0x2000, $0x38;
	[tilespmem:$0x1C000] =	vst v63  }
0x20: {  	_ =	swait.ge [sflag:s14], $0x2000  }
0x21: {  	[sflag:s14] =	ssyncset.done $0x0  }
0x22: {  	[sflag:s14] =	ssyncadd.s32 $0xFFFFE000  }
0x23: {  	s26 =	simm.s32 $0x0;
	[bflag:$0x0] =	sbarrier.arrive $0xFFFF  }
0x24: {  	[tilespmem:s18], [sflag:$0x1] =	stream.indirect.gather [hbm4b:s1+s17], $0x40, s4, s17, $0xb8;
	[tilespmem:$0x1C000] =	vst v63  }
.LBB2_2:
0x25: {  	_ =	swait.ge [sflag:s19], $0x2000  }
0x26: {  	s28 =	sshra.s32 s26, $0x2;
	[sflag:s19] =	ssyncset.done $0x0  }
0x27: {  	s29 =	sadd.s32 $0x80, s28;
	[sflag:s19] =	ssyncadd.s32 $0xFFFFE000  }
0x28: {  	[tilespmem:s20], [sflag:$0x2] =	stream.indirect.gather [hbm4b:s1+s17], $0x40, s29, s17, $0xb8;
	[tilespmem:$0x1C000] =	vst v63  }
0x29: {  	s31 =	sadd.s32 $0x2000, s28  }
0x2a: {  	[spmem:s3] =	stream.indirect.scatter.add.f32 [tilespmem:s18], [sflag:$0x3], $0x40, s31, s17, $0xb8;
	[tilespmem:$0x1C000] =	vst v63  }
0x2b: {  	_ =	swait.ge [sflag:s14], $0x2000  }
0x2c: {  	[sflag:s14] =	ssyncset.done $0x0  }
0x2d: {  	[sflag:s14] =	ssyncadd.s32 $0xFFFFE000  }
0x2e: {  	v1 =	vld [tilespmem:s28+$0x2000];
	_ =	sdelay $0x7  }
0x2f: {  	[tilespmem:v1+s15+$0x0] =	vst.idx.add.f32.msk $0xffff, v0  }
0x30: {  	v1 =	vld [tilespmem:s28+$0x2010];
	_ =	sdelay $0x7  }
0x31: {  	[tilespmem:v1+s15+$0x0] =	vst.idx.add.f32.msk $0xffff, v0  }
0x32: {  	v1 =	vld [tilespmem:s28+$0x2020];
	_ =	sdelay $0x7  }
0x33: {  	[tilespmem:v1+s15+$0x0] =	vst.idx.add.f32.msk $0xffff, v0  }
0x34: {  	v1 =	vld [tilespmem:s28+$0x2030];
	_ =	sdelay $0x7  }
0x35: {  	[tilespmem:v1+s15+$0x0] =	vst.idx.add.f32.msk $0xffff, v0  }
0x36: {  	v1 =	vld [tilespmem:s28+$0x2040];
	_ =	sdelay $0x7  }
0x37: {  	[tilespmem:v1+s15+$0x0] =	vst.idx.add.f32.msk $0xffff, v0  }
0x38: {  	v1 =	vld [tilespmem:s28+$0x2050];
	_ =	sdelay $0x7  }
0x39: {  	[tilespmem:v1+s15+$0x0] =	vst.idx.add.f32.msk $0xffff, v0  }
0x3a: {  	v1 =	vld [tilespmem:s28+$0x2060];
	_ =	sdelay $0x7  }
0x3b: {  	[tilespmem:v1+s15+$0x0] =	vst.idx.add.f32.msk $0xffff, v0  }
0x3c: {  	v1 =	vld [tilespmem:s28+$0x2070];
	_ =	sdelay $0x7  }
0x3d: {  	[tilespmem:v1+s15+$0x0] =	vst.idx.add.f32.msk $0xffff, v0  }
0x3e: {  	_ =	swait.ge [sflag:s21], $0x2000  }
0x3f: {  	[sflag:s21] =	ssyncset.done $0x0  }
0x40: {  	s30 =	sadd.s32 $0x100, s28;
	[sflag:s21] =	ssyncadd.s32 $0xFFFFE000  }
0x41: {  	[tilespmem:s18], [sflag:$0x1] =	stream.indirect.gather [hbm4b:s1+s17], $0x40, s30, s17, $0xb8;
	[tilespmem:$0x1C000] =	vst v63  }
0x42: {  	s31 =	sadd.s32 $0x2080, s28  }
0x43: {  	[spmem:s3] =	stream.indirect.scatter.add.f32 [tilespmem:s20], [sflag:$0x3], $0x40, s31, s17, $0xb8;
	[tilespmem:$0x1C000] =	vst v63  }
0x44: {  	_ =	swait.ge [sflag:s14], $0x2000  }
0x45: {  	[sflag:s14] =	ssyncset.done $0x0  }
0x46: {  	[sflag:s14] =	ssyncadd.s32 $0xFFFFE000  }
0x47: {  	v1 =	vld [tilespmem:s28+$0x2080];
	_ =	sdelay $0x7  }
0x48: {  	[tilespmem:v1+s15+$0x0] =	vst.idx.add.f32.msk $0xffff, v0  }
0x49: {  	v1 =	vld [tilespmem:s28+$0x2090];
	_ =	sdelay $0x7  }
0x4a: {  	[tilespmem:v1+s15+$0x0] =	vst.idx.add.f32.msk $0xffff, v0  }
0x4b: {  	v1 =	vld [tilespmem:s28+$0x20A0];
	_ =	sdelay $0x7  }
0x4c: {  	[tilespmem:v1+s15+$0x0] =	vst.idx.add.f32.msk $0xffff, v0  }
0x4d: {  	v1 =	vld [tilespmem:s28+$0x20B0];
	_ =	sdelay $0x7  }
0x4e: {  	[tilespmem:v1+s15+$0x0] =	vst.idx.add.f32.msk $0xffff, v0  }
0x4f: {  	v1 =	vld [tilespmem:s28+$0x20C0];
	_ =	sdelay $0x7  }
0x50: {  	[tilespmem:v1+s15+$0x0] =	vst.idx.add.f32.msk $0xffff, v0  }
0x51: {  	v1 =	vld [tilespmem:s28+$0x20D0];
	_ =	sdelay $0x7  }
0x52: {  	[tilespmem:v1+s15+$0x0] =	vst.idx.add.f32.msk $0xffff, v0  }
0x53: {  	v1 =	vld [tilespmem:s28+$0x20E0];
	_ =	sdelay $0x7  }
0x54: {  	[tilespmem:v1+s15+$0x0] =	vst.idx.add.f32.msk $0xffff, v0  }
0x55: {  	v1 =	vld [tilespmem:s28+$0x20F0];
	_ =	sdelay $0x2  }
0x56: {  	p0 =	sne.s32 s26, $0x7800  }
.Ltmp0:
0x57: {  	_ = 	snop;
	(pc) =	sbr.rel @p0 .LBB2_2-.Ltmp0, $2  }
0x58: {  	_ =	sdelay $0x2  }
0x59: {  	s26 =	sadd.s32 $0x400, s26;
	[tilespmem:v1+s15+$0x0] =	vst.idx.add.f32.msk $0xffff, v0  }
0x5a: {  	_ =	swait.ge [sflag:s19], $0x2000  }
0x5b: {  	[sflag:s19] =	ssyncset.done $0x0  }
0x5c: {  	[sflag:s19] =	ssyncadd.s32 $0xFFFFE000  }
0x5d: {  	[tilespmem:s20], [sflag:$0x2] =	stream.indirect.gather [hbm4b:s1+s17], $0x40, s22, s17, $0xb8;
	[tilespmem:$0x1C000] =	vst v63  }
0x5e: {  	_ = 	snop  }
0x5f: {  	[spmem:s3] =	stream.indirect.scatter.add.f32 [tilespmem:s18], [sflag:$0x3], $0x40, s23, s17, $0xb8;
	[tilespmem:$0x1C000] =	vst v63  }
0x60: {  	_ =	swait.ge [sflag:s14], $0x2000  }
0x61: {  	[sflag:s14] =	ssyncset.done $0x0  }
0x62: {  	[sflag:s14] =	ssyncadd.s32 $0xFFFFE000  }
0x63: {  	v1 =	vld [tilespmem:$0x3F00];
	_ =	sdelay $0x7  }
0x64: {  	[tilespmem:v1+s15+$0x0] =	vst.idx.add.f32.msk $0xffff, v0  }
0x65: {  	v1 =	vld [tilespmem:$0x3F10];
	_ =	sdelay $0x7  }
0x66: {  	[tilespmem:v1+s15+$0x0] =	vst.idx.add.f32.msk $0xffff, v0  }
0x67: {  	v1 =	vld [tilespmem:$0x3F20];
	_ =	sdelay $0x7  }
0x68: {  	[tilespmem:v1+s15+$0x0] =	vst.idx.add.f32.msk $0xffff, v0  }
0x69: {  	v1 =	vld [tilespmem:$0x3F30];
	_ =	sdelay $0x7  }
0x6a: {  	[tilespmem:v1+s15+$0x0] =	vst.idx.add.f32.msk $0xffff, v0  }
0x6b: {  	v1 =	vld [tilespmem:$0x3F40];
	_ =	sdelay $0x7  }
0x6c: {  	[tilespmem:v1+s15+$0x0] =	vst.idx.add.f32.msk $0xffff, v0  }
0x6d: {  	v1 =	vld [tilespmem:$0x3F50];
	_ =	sdelay $0x7  }
0x6e: {  	[tilespmem:v1+s15+$0x0] =	vst.idx.add.f32.msk $0xffff, v0  }
0x6f: {  	v1 =	vld [tilespmem:$0x3F60];
	_ =	sdelay $0x7  }
0x70: {  	[tilespmem:v1+s15+$0x0] =	vst.idx.add.f32.msk $0xffff, v0  }
0x71: {  	v1 =	vld [tilespmem:$0x3F70];
	_ =	sdelay $0x7  }
0x72: {  	[tilespmem:v1+s15+$0x0] =	vst.idx.add.f32.msk $0xffff, v0  }
0x73: {  	_ =	swait.ge [sflag:s21], $0x2000  }
0x74: {  	[sflag:s21] =	ssyncset.done $0x0  }
0x75: {  	[sflag:s21] =	ssyncadd.s32 $0xFFFFE000  }
0x76: {  	[spmem:s3] =	stream.indirect.scatter.add.f32 [tilespmem:s20], [sflag:$0x3], $0x40, s24, s17, $0xb8;
	[tilespmem:$0x1C000] =	vst v63  }
0x77: {  	_ =	swait.ge [sflag:s14], $0x2000  }
0x78: {  	[sflag:s14] =	ssyncset.done $0x0  }
0x79: {  	[sflag:s14] =	ssyncadd.s32 $0xFFFFE000  }
0x7a: {  	v1 =	vld [tilespmem:$0x3F80];
	_ =	sdelay $0x7  }
0x7b: {  	[tilespmem:v1+s15+$0x0] =	vst.idx.add.f32.msk $0xffff, v0  }
0x7c: {  	v1 =	vld [tilespmem:$0x3F90];
	_ =	sdelay $0x7  }
0x7d: {  	[tilespmem:v1+s15+$0x0] =	vst.idx.add.f32.msk $0xffff, v0  }
0x7e: {  	v1 =	vld [tilespmem:$0x3FA0];
	_ =	sdelay $0x7  }
0x7f: {  	[tilespmem:v1+s15+$0x0] =	vst.idx.add.f32.msk $0xffff, v0  }
0x80: {  	v1 =	vld [tilespmem:$0x3FB0];
	_ =	sdelay $0x7  }
0x81: {  	[tilespmem:v1+s15+$0x0] =	vst.idx.add.f32.msk $0xffff, v0  }
0x82: {  	v1 =	vld [tilespmem:$0x3FC0];
	_ =	sdelay $0x7  }
0x83: {  	[tilespmem:v1+s15+$0x0] =	vst.idx.add.f32.msk $0xffff, v0  }
0x84: {  	v1 =	vld [tilespmem:$0x3FD0];
	_ =	sdelay $0x7  }
0x85: {  	[tilespmem:v1+s15+$0x0] =	vst.idx.add.f32.msk $0xffff, v0  }
0x86: {  	v1 =	vld [tilespmem:$0x3FE0];
	_ =	sdelay $0x7  }
0x87: {  	[tilespmem:v1+s15+$0x0] =	vst.idx.add.f32.msk $0xffff, v0  }
0x88: {  	v1 =	vld [tilespmem:$0x3FF0];
	_ =	sdelay $0x7  }
0x89: {  	[tilespmem:v1+s15+$0x0] =	vst.idx.add.f32.msk $0xffff, v0  }
0x8a: {  	[bflag:$0x0] =	sbarrier.arrive $0xFFFF  }
0x8b: {  	[hbm:s10], [sflag:s7] =	dma.local [spmem:s13], $0x2000  }
0x8c: {  	s25 =	sadd.s32 $0x1, s25;
	_ =	swait.ge [sflag:s14], $0x2000  }
0x8d: {  	p0 =	sne.s32 s25, s12;
	[sflag:s14] =	ssyncset.done $0x0  }
.Ltmp1:
0x8e: {  	[sflag:s14] =	ssyncadd.s32 $0xFFFFE000;
	(pc) =	sbr.rel @p0 .LBB2_1-.Ltmp1, $4  }
0x8f: {  	[hbm4b:s11+s4] =	stream.linear.scatter [tilespmem:s15], [sflag:$0x3], $0x4000, $0x38;
	[tilespmem:$0x1C000] =	vst v63  }
0x90: {  	_ =	swait.ge [sflag:s14], $0x4000  }
0x91: {  	[sflag:s14] =	ssyncset.done $0x0  }
0x92: {  	[sflag:s14] =	ssyncadd.s32 $0xFFFFC000  }
0x93: {  	_ =	sfence.sel $0x180000  }
0x94: {  	[bflag:$0x0] =	sbarrier.arrive $0xFFFF  }
0x95: {  	p0 =	sne.s32 s2, $0x0;
	_ =	strace $0x90000047  }
0x96: {  	s0 =	sadd.s32 @!p0 $0x100000, s0;
	[bflag:$0x2] =	sbarrier.arrive $0xFFFF  }
0x97: {  	[sflag:s0] =	ssyncadd.tile.s32 @!p0 $0x1;
	_ =	shalt  }
.Lfunc_end2:
_tile_overlayer_lowered:
.L_overlay_start_2:
0x98: {  	(tag) =	ssettag $0x2  }
0x99: {  	s0 =	rddreg [dreg:$0x0];
	s2 =	stileid.u32  }
0x9a: {  	s1 =	rddreg [dreg:$0x1];
	p0 =	sne.s32 s2, $0x0  }
0x9b: {  	s3 =	rddreg [dreg:$0x2];
	[bflag:$0x3] =	sbarrier.arrive $0xFFFF;
	s2 =	simm.s32 @!p0 $0x1C03  }
0x9c: {  	[timem:s3], [sflag:s2] =	dma.local @!p0 [hbm:s0], s1  }
0x9d: {  	s0 =	simm.s32 @!p0 $0x3  }
0x9e: {  	_ =	swait.ge @!p0 [sflag:s0], s1  }
0x9f: {  	s1 =	ssub.s32 @!p0 $0x0, s1;
	[sflag:s0] =	ssyncset.done @!p0 $0x0  }
0xa0: {  	[sflag:s0] =	ssyncadd.s32 @!p0 s1  }
0xa1: {  	[bflag:$0x3] =	sbarrier.arrive $0xFFFF  }
0xa2: {  	_ =	shalt  }

</sc_bundles>
